<compile_context>
chip_gen: v7x
topology: tpu7x:2x2x1
jax: 0.10.2.dev20260603
libtpu: 0.0.44.dev20260713+nightly
codegen_flags: <defaults>
</compile_context>

<pallas_src>
import functools

import jax
import jax.numpy as jnp
from jax import lax
from jax.experimental import pallas as pl
from jax.experimental.pallas import tpu as pltpu
from jax.experimental.pallas import tpu_sc as plsc

B = 16384
V = 100001
T = 10000
D = 32
L = 20

NC = 2
NS = 16
NW = NC * NS
IPW = B // NW
GW = 128
TOK_W = IPW * L // GW
TIT_W = IPW // GW
NBUF = 4


def _sc_gather_pool(title_table, title_idx_3d, token_table_z, token_idx_3d,
                    row2item):
    mesh = plsc.VectorSubcoreMesh(core_axis_name="c", subcore_axis_name="s")
    out_type = (
        jax.ShapeDtypeStruct((B, D), jnp.float32),
        jax.ShapeDtypeStruct((B, D), jnp.float32),
    )

    @functools.partial(
        pl.kernel, out_type=out_type, mesh=mesh,
        scratch_types=[
            pltpu.VMEM((TOK_W, GW), jnp.int32),
            pltpu.VMEM((TOK_W, GW), jnp.int32),
            pltpu.VMEM((TIT_W, GW), jnp.int32),
            pltpu.VMEM((GW, D), jnp.float32),
            pltpu.VMEM((NBUF, GW, D), jnp.float32),
            pltpu.VMEM((TIT_W, GW, D), jnp.float32),
            pltpu.VMEM_SHARED((NS * IPW + NS, D), jnp.float32),
            pltpu.SemaphoreType.DMA,
            pltpu.SemaphoreType.DMA,
            pltpu.SemaphoreType.DMA,
            pltpu.SemaphoreType.DMA,
            pltpu.SemaphoreType.DMA,
        ],
        compiler_params=pltpu.CompilerParams(use_tc_tiling_on_sc=False))
    def k(title_tab_hbm, title_idx_hbm, tok_tab_hbm, tok_idx_hbm, pat_hbm,
          out_title_hbm, out_pool_hbm,
          pat_v, idxa_v, tidx_v, zbuf_v, rows_v, trows_v, acc_sh,
          s0, s1, s2, s3, st):
        sems = (s0, s1, s2, s3)
        sid = lax.axis_index("s")
        wid = sid * NC + lax.axis_index("c")

        pltpu.sync_copy(tok_idx_hbm.at[wid], idxa_v)
        pltpu.sync_copy(title_idx_hbm.at[wid], tidx_v)
        pltpu.sync_copy(pat_hbm, pat_v)

        for b in range(NBUF):
            pltpu.async_copy(tok_tab_hbm.at[idxa_v.at[b]], rows_v.at[b],
                             sems[b])
        for b in range(TIT_W):
            pltpu.async_copy(title_tab_hbm.at[tidx_v.at[b]],
                             trows_v.at[b], st)

        off = jnp.broadcast_to(sid * IPW, (16,)).astype(jnp.int32)
        trash = jnp.broadcast_to(NS * IPW + sid, (16,)).astype(jnp.int32)

        def obody(i, carry):
            a = i // (GW // 16)
            bb = i % (GW // 16)
            ids = idxa_v[a, pl.ds(bb * 16, 16)]
            pat_v[a, pl.ds(bb * 16, 16)] = jnp.where(
                ids == 0, trash, pat_v[a, pl.ds(bb * 16, 16)] + off)
            return carry

        lax.fori_loop(0, TOK_W * (GW // 16), obody, 0)

        zero = jnp.zeros((16,), jnp.float32)

        def zbody(i, carry):
            zbuf_v[i, pl.ds(0, 16)] = zero
            zbuf_v[i, pl.ds(16, 16)] = zero
            return carry

        lax.fori_loop(0, GW, zbody, 0)

        def zcopy(c, carry):
            pltpu.sync_copy(zbuf_v, acc_sh.at[pl.ds(sid * IPW + c * GW, GW)])
            return carry

        lax.fori_loop(0, IPW // GW, zcopy, 0)

        def gbody(g, carry):
            for b in range(NBUF):
                w = g * NBUF + b
                pltpu.make_async_copy(
                    tok_tab_hbm.at[idxa_v.at[w]], rows_v.at[b], sems[b]).wait()
                pltpu.sync_copy(rows_v.at[b], acc_sh.at[pat_v.at[w]], add=True)
                pltpu.async_copy(tok_tab_hbm.at[idxa_v.at[w + NBUF]],
                                 rows_v.at[b], sems[b])
            return carry

        lax.fori_loop(0, TOK_W // NBUF - 1, gbody, 0)

        for b in range(NBUF):
            w = TOK_W - NBUF + b
            pltpu.make_async_copy(
                tok_tab_hbm.at[idxa_v.at[w]], rows_v.at[b], sems[b]).wait()
            pltpu.sync_copy(rows_v.at[b], acc_sh.at[pat_v.at[w]], add=True)

        pltpu.sync_copy(acc_sh.at[pl.ds(sid * IPW, IPW)],
                        out_pool_hbm.at[pl.ds(wid * IPW, IPW)])

        for b in range(TIT_W):
            pltpu.make_async_copy(title_tab_hbm.at[tidx_v.at[b]],
                                  trows_v.at[b], st).wait()
        for b in range(TIT_W):
            pltpu.sync_copy(trows_v.at[b],
                            out_title_hbm.at[pl.ds(wid * IPW + b * GW, GW)])

    return k(title_table, title_idx_3d, token_table_z, token_idx_3d, row2item)


def _tc_combine(token_ids, title_emb, pooled):
    K = 1024

    def body(ids_ref, title_ref, pool_ref, out_ref):
        ids = ids_ref[...]
        cnt = jnp.sum((ids != 0).astype(jnp.float32), axis=1, keepdims=True)
        denom = jnp.maximum(cnt, 1.0)
        out_ref[:, :D] = title_ref[...]
        out_ref[:, D:] = pool_ref[...] / denom

    return pl.pallas_call(
        body,
        grid=(B // K,),
        in_specs=[
            pl.BlockSpec((K, L), lambda i: (i, 0)),
            pl.BlockSpec((K, D), lambda i: (i, 0)),
            pl.BlockSpec((K, D), lambda i: (i, 0)),
        ],
        out_specs=pl.BlockSpec((K, 2 * D), lambda i: (i, 0)),
        out_shape=jax.ShapeDtypeStruct((B, 2 * D), jnp.float32),
    )(token_ids, title_emb, pooled)


def kernel(title_ids, token_ids, title_table, token_table):
    row2item = (jnp.arange(IPW * L, dtype=jnp.int32) // L).reshape(TOK_W, GW)
    title_emb, pooled = _sc_gather_pool(
        title_table,
        title_ids.astype(jnp.int32).reshape(NW, TIT_W, GW),
        token_table,
        token_ids.astype(jnp.int32).reshape(NW, TOK_W, GW),
        row2item,
    )
    return _tc_combine(token_ids, title_emb, pooled)

# --- scband reference (transcript-rebuilt; emitter-appended) ---
"""Pipeline reference for scband-movie-model-21869973471268 (READ-ONLY COPY).

The authoritative reference and input builder live on the scoring server;
editing this copy changes nothing except your own understanding.
"""

import jax, jax.numpy as jnp
import numpy as np

B = 16384
V = 100001  # len(unique_movie_titles) + 1 (StringLookup OOV slot)
T = 10000   # TextVectorization max_tokens
D = 32
L = 20      # tokenized title length


def setup_inputs(seed: int = 0) -> dict:
    key = jax.random.key(seed)
    k1, k2, k3, k4 = jax.random.split(key, 4)
    # StringLookup output: integer id per title in [0, V)
    title_ids = jax.random.randint(k1, (B,), 0, V)
    # TextVectorization output: padded token ids in [0, T); 0 is the mask/pad token
    token_ids = jax.random.randint(k2, (B, L), 0, T)
    title_table = jax.random.normal(k3, (V, D), dtype=jnp.float32) * 0.02
    token_table = jax.random.normal(k4, (T, D), dtype=jnp.float32) * 0.02
    return {"title_ids": title_ids, "token_ids": token_ids,
            "title_table": title_table, "token_table": token_table}


def reference(title_ids, token_ids, title_table, token_table):
    # Branch 1: StringLookup -> Embedding  (whole-title id embedding)
    title_emb = jnp.take(title_table, title_ids, axis=0)              # [B, D]
    # Branch 2: TextVectorization -> Embedding(mask_zero=True) -> GlobalAveragePooling1D
    tok_emb = jnp.take(token_table, token_ids, axis=0)                # [B, L, D]
    mask = (token_ids != 0).astype(tok_emb.dtype)                     # [B, L]
    summed = jnp.sum(tok_emb * mask[..., None], axis=1)               # [B, D]
    denom = jnp.maximum(jnp.sum(mask, axis=1, keepdims=True), 1.0)    # [B, 1]
    text_emb = summed / denom                                         # [B, D]
    return jnp.concatenate([title_emb, text_emb], axis=1)             # [B, 2D]

if __name__ == "__main__":
    import jax
    _d = setup_inputs()
    print(jax.jit(kernel)(*tuple(_d.values())))

</pallas_src>

<mosaic_0001>
#map = affine_map<(d0, d1) -> (0, 0)>
#map1 = affine_map<(d0, d1) -> (0, 0, 0)>
module attributes {stable_mosaic.version = 14 : i64} {
  func.func @k(%arg0: i32, %arg1: i32, %arg2: memref<100001x32xf32, #tpu.memory_space<hbm>>, %arg3: memref<32x4x128xi32, #tpu.memory_space<hbm>>, %arg4: memref<10000x32xf32, #tpu.memory_space<hbm>>, %arg5: memref<32x80x128xi32, #tpu.memory_space<hbm>>, %arg6: memref<80x128xi32, #tpu.memory_space<hbm>>, %arg7: memref<16384x32xf32, #tpu.memory_space<hbm>>, %arg8: memref<16384x32xf32, #tpu.memory_space<hbm>>, %arg9: memref<80x128xi32, #tpu.memory_space<vmem>>, %arg10: memref<80x128xi32, #tpu.memory_space<vmem>>, %arg11: memref<4x128xi32, #tpu.memory_space<vmem>>, %arg12: memref<128x32xf32, #tpu.memory_space<vmem>>, %arg13: memref<4x128x32xf32, #tpu.memory_space<vmem>>, %arg14: memref<4x128x32xf32, #tpu.memory_space<vmem>>, %arg15: memref<8208x32xf32, #tpu.memory_space<vmem_shared>>, %arg16: memref<!tpu.dma_semaphore, #tpu.memory_space<semaphore_mem>>, %arg17: memref<!tpu.dma_semaphore, #tpu.memory_space<semaphore_mem>>, %arg18: memref<!tpu.dma_semaphore, #tpu.memory_space<semaphore_mem>>, %arg19: memref<!tpu.dma_semaphore, #tpu.memory_space<semaphore_mem>>, %arg20: memref<!tpu.dma_semaphore, #tpu.memory_space<semaphore_mem>>) attributes {dimension_semantics = [#tpu.dimension_semantics<core_parallel>, #tpu.dimension_semantics<subcore_parallel>], iteration_bounds = array<i64: 2, 16>, scalar_prefetch = 0 : i64, scratch_operands = 12 : i64, tpu.core_type = #tpu.core_type<sc_vector_subcore>, window_params = [{transform_indices = #map}, {transform_indices = #map1}, {transform_indices = #map}, {transform_indices = #map1}, {transform_indices = #map}, {transform_indices = #map}, {transform_indices = #map}]} {
    %mul3A = arith.constant 2 : i32
    %mul3A_0 = arith.muli %arg1, %mul3A : i32
    %add3A = arith.addi %mul3A_0, %arg0 : i32
    "tpu.region"() ({
      %run_scoped3A_252 = tpu.sem_alloc : memref<!tpu.dma_semaphore, #tpu.memory_space<semaphore_mem>>
      %dma_start3A_253 = arith.constant 0 : i32
      %dma_start3A_254 = arith.constant 0 : i32
      %dma_start3A_255 = tpu.memref_slice %arg5[%add3A, %dma_start3A_253, %dma_start3A_254] : memref<32x80x128xi32, #tpu.memory_space<hbm>> -> memref<1x80x128xi32, #tpu.memory_space<hbm>>
      %dma_start3A_256 = tpu.memref_squeeze %dma_start3A_255 : memref<1x80x128xi32, #tpu.memory_space<hbm>> -> memref<80x128xi32, #tpu.memory_space<hbm>>
      %dma_start3A_257 = arith.constant 0 : i32
      %dma_start3A_258 = arith.constant 0 : i32
      %dma_start3A_259 = tpu.memref_slice %arg5[%add3A, %dma_start3A_257, %dma_start3A_258] : memref<32x80x128xi32, #tpu.memory_space<hbm>> -> memref<1x80x128xi32, #tpu.memory_space<hbm>>
      %dma_start3A_260 = tpu.memref_squeeze %dma_start3A_259 : memref<1x80x128xi32, #tpu.memory_space<hbm>> -> memref<80x128xi32, #tpu.memory_space<hbm>>
      tpu.enqueue_dma source(%dma_start3A_260 : memref<80x128xi32, #tpu.memory_space<hbm>>) target(%arg10 : memref<80x128xi32, #tpu.memory_space<vmem>>) target_semaphore(%run_scoped3A_252 : memref<!tpu.dma_semaphore, #tpu.memory_space<semaphore_mem>>)
      %dma_wait3A_261 = arith.constant 0 : i32
      %dma_wait3A_262 = arith.constant 0 : i32
      %dma_wait3A_263 = tpu.memref_slice %arg5[%add3A, %dma_wait3A_261, %dma_wait3A_262] : memref<32x80x128xi32, #tpu.memory_space<hbm>> -> memref<1x80x128xi32, #tpu.memory_space<hbm>>
      %dma_wait3A_264 = tpu.memref_squeeze %dma_wait3A_263 : memref<1x80x128xi32, #tpu.memory_space<hbm>> -> memref<80x128xi32, #tpu.memory_space<hbm>>
      %dma_wait3A_265 = arith.constant 0 : i32
      %dma_wait3A_266 = arith.constant 0 : i32
      %dma_wait3A_267 = tpu.memref_slice %arg5[%add3A, %dma_wait3A_265, %dma_wait3A_266] : memref<32x80x128xi32, #tpu.memory_space<hbm>> -> memref<1x80x128xi32, #tpu.memory_space<hbm>>
      %dma_wait3A_268 = tpu.memref_squeeze %dma_wait3A_267 : memref<1x80x128xi32, #tpu.memory_space<hbm>> -> memref<80x128xi32, #tpu.memory_space<hbm>>
      tpu.wait_dma2 semaphore(%run_scoped3A_252 : memref<!tpu.dma_semaphore, #tpu.memory_space<semaphore_mem>>) src(%dma_wait3A_268 : memref<80x128xi32, #tpu.memory_space<hbm>>) dst(%arg10 : memref<80x128xi32, #tpu.memory_space<vmem>>)
      tpu.yield
    }) : () -> ()
    "tpu.region"() ({
      %run_scoped3A_252 = tpu.sem_alloc : memref<!tpu.dma_semaphore, #tpu.memory_space<semaphore_mem>>
      %dma_start3A_253 = arith.constant 0 : i32
      %dma_start3A_254 = arith.constant 0 : i32
      %dma_start3A_255 = tpu.memref_slice %arg3[%add3A, %dma_start3A_253, %dma_start3A_254] : memref<32x4x128xi32, #tpu.memory_space<hbm>> -> memref<1x4x128xi32, #tpu.memory_space<hbm>>
      %dma_start3A_256 = tpu.memref_squeeze %dma_start3A_255 : memref<1x4x128xi32, #tpu.memory_space<hbm>> -> memref<4x128xi32, #tpu.memory_space<hbm>>
      %dma_start3A_257 = arith.constant 0 : i32
      %dma_start3A_258 = arith.constant 0 : i32
      %dma_start3A_259 = tpu.memref_slice %arg3[%add3A, %dma_start3A_257, %dma_start3A_258] : memref<32x4x128xi32, #tpu.memory_space<hbm>> -> memref<1x4x128xi32, #tpu.memory_space<hbm>>
      %dma_start3A_260 = tpu.memref_squeeze %dma_start3A_259 : memref<1x4x128xi32, #tpu.memory_space<hbm>> -> memref<4x128xi32, #tpu.memory_space<hbm>>
      tpu.enqueue_dma source(%dma_start3A_260 : memref<4x128xi32, #tpu.memory_space<hbm>>) target(%arg11 : memref<4x128xi32, #tpu.memory_space<vmem>>) target_semaphore(%run_scoped3A_252 : memref<!tpu.dma_semaphore, #tpu.memory_space<semaphore_mem>>)
      %dma_wait3A_261 = arith.constant 0 : i32
      %dma_wait3A_262 = arith.constant 0 : i32
      %dma_wait3A_263 = tpu.memref_slice %arg3[%add3A, %dma_wait3A_261, %dma_wait3A_262] : memref<32x4x128xi32, #tpu.memory_space<hbm>> -> memref<1x4x128xi32, #tpu.memory_space<hbm>>
      %dma_wait3A_264 = tpu.memref_squeeze %dma_wait3A_263 : memref<1x4x128xi32, #tpu.memory_space<hbm>> -> memref<4x128xi32, #tpu.memory_space<hbm>>
      %dma_wait3A_265 = arith.constant 0 : i32
      %dma_wait3A_266 = arith.constant 0 : i32
      %dma_wait3A_267 = tpu.memref_slice %arg3[%add3A, %dma_wait3A_265, %dma_wait3A_266] : memref<32x4x128xi32, #tpu.memory_space<hbm>> -> memref<1x4x128xi32, #tpu.memory_space<hbm>>
      %dma_wait3A_268 = tpu.memref_squeeze %dma_wait3A_267 : memref<1x4x128xi32, #tpu.memory_space<hbm>> -> memref<4x128xi32, #tpu.memory_space<hbm>>
      tpu.wait_dma2 semaphore(%run_scoped3A_252 : memref<!tpu.dma_semaphore, #tpu.memory_space<semaphore_mem>>) src(%dma_wait3A_268 : memref<4x128xi32, #tpu.memory_space<hbm>>) dst(%arg11 : memref<4x128xi32, #tpu.memory_space<vmem>>)
      tpu.yield
    }) : () -> ()
    "tpu.region"() ({
      %run_scoped3A_252 = tpu.sem_alloc : memref<!tpu.dma_semaphore, #tpu.memory_space<semaphore_mem>>
      tpu.enqueue_dma source(%arg6 : memref<80x128xi32, #tpu.memory_space<hbm>>) target(%arg9 : memref<80x128xi32, #tpu.memory_space<vmem>>) target_semaphore(%run_scoped3A_252 : memref<!tpu.dma_semaphore, #tpu.memory_space<semaphore_mem>>)
      tpu.wait_dma2 semaphore(%run_scoped3A_252 : memref<!tpu.dma_semaphore, #tpu.memory_space<semaphore_mem>>) src(%arg6 : memref<80x128xi32, #tpu.memory_space<hbm>>) dst(%arg9 : memref<80x128xi32, #tpu.memory_space<vmem>>)
      tpu.yield
    }) : () -> ()
    %dma_start3A = arith.constant 0 : i32
    %dma_start3A_1 = arith.constant 0 : i32
    %dma_start3A_2 = arith.constant 0 : i32
    %dma_start3A_3 = arith.constant 0 : i32
    %dma_start3A_4 = tpu.memref_slice %arg13[%dma_start3A_1, %dma_start3A_2, %dma_start3A_3] : memref<4x128x32xf32, #tpu.memory_space<vmem>> -> memref<1x128x32xf32, #tpu.memory_space<vmem>>
    %dma_start3A_5 = tpu.memref_squeeze %dma_start3A_4 : memref<1x128x32xf32, #tpu.memory_space<vmem>> -> memref<128x32xf32, #tpu.memory_space<vmem>>
    %dma_start3A_6 = arith.constant 0 : i32
    %dma_start3A_7 = tpu.memref_slice %arg10[%dma_start3A, %dma_start3A_6] : memref<80x128xi32, #tpu.memory_space<vmem>> -> memref<1x128xi32, #tpu.memory_space<vmem>>
    %dma_start3A_8 = tpu.memref_squeeze %dma_start3A_7 : memref<1x128xi32, #tpu.memory_space<vmem>> -> memref<128xi32, #tpu.memory_space<vmem>>
    %dma_start3A_9 = arith.constant 0 : i32
    %dma_start3A_10 = arith.constant 0 : i32
    %dma_start3A_11 = tpu.memref_slice %arg4[%dma_start3A_9, %dma_start3A_10] : memref<10000x32xf32, #tpu.memory_space<hbm>> -> memref<10000x32xf32, #tpu.memory_space<hbm>>
    tpu.enqueue_indirect_dma source(%dma_start3A_11 : memref<10000x32xf32, #tpu.memory_space<hbm>>) target(%dma_start3A_5 : memref<128x32xf32, #tpu.memory_space<vmem>>) offsets(%dma_start3A_8 : memref<128xi32, #tpu.memory_space<vmem>>) semaphore(%arg16 : memref<!tpu.dma_semaphore, #tpu.memory_space<semaphore_mem>>)
    %dma_start3A_12 = arith.constant 1 : i32
    %dma_start3A_13 = arith.constant 1 : i32
    %dma_start3A_14 = arith.constant 0 : i32
    %dma_start3A_15 = arith.constant 0 : i32
    %dma_start3A_16 = tpu.memref_slice %arg13[%dma_start3A_13, %dma_start3A_14, %dma_start3A_15] : memref<4x128x32xf32, #tpu.memory_space<vmem>> -> memref<1x128x32xf32, #tpu.memory_space<vmem>>
    %dma_start3A_17 = tpu.memref_squeeze %dma_start3A_16 : memref<1x128x32xf32, #tpu.memory_space<vmem>> -> memref<128x32xf32, #tpu.memory_space<vmem>>
    %dma_start3A_18 = arith.constant 0 : i32
    %dma_start3A_19 = tpu.memref_slice %arg10[%dma_start3A_12, %dma_start3A_18] : memref<80x128xi32, #tpu.memory_space<vmem>> -> memref<1x128xi32, #tpu.memory_space<vmem>>
    %dma_start3A_20 = tpu.memref_squeeze %dma_start3A_19 : memref<1x128xi32, #tpu.memory_space<vmem>> -> memref<128xi32, #tpu.memory_space<vmem>>
    %dma_start3A_21 = arith.constant 0 : i32
    %dma_start3A_22 = arith.constant 0 : i32
    %dma_start3A_23 = tpu.memref_slice %arg4[%dma_start3A_21, %dma_start3A_22] : memref<10000x32xf32, #tpu.memory_space<hbm>> -> memref<10000x32xf32, #tpu.memory_space<hbm>>
    tpu.enqueue_indirect_dma source(%dma_start3A_23 : memref<10000x32xf32, #tpu.memory_space<hbm>>) target(%dma_start3A_17 : memref<128x32xf32, #tpu.memory_space<vmem>>) offsets(%dma_start3A_20 : memref<128xi32, #tpu.memory_space<vmem>>) semaphore(%arg17 : memref<!tpu.dma_semaphore, #tpu.memory_space<semaphore_mem>>)
    %dma_start3A_24 = arith.constant 2 : i32
    %dma_start3A_25 = arith.constant 2 : i32
    %dma_start3A_26 = arith.constant 0 : i32
    %dma_start3A_27 = arith.constant 0 : i32
    %dma_start3A_28 = tpu.memref_slice %arg13[%dma_start3A_25, %dma_start3A_26, %dma_start3A_27] : memref<4x128x32xf32, #tpu.memory_space<vmem>> -> memref<1x128x32xf32, #tpu.memory_space<vmem>>
    %dma_start3A_29 = tpu.memref_squeeze %dma_start3A_28 : memref<1x128x32xf32, #tpu.memory_space<vmem>> -> memref<128x32xf32, #tpu.memory_space<vmem>>
    %dma_start3A_30 = arith.constant 0 : i32
    %dma_start3A_31 = tpu.memref_slice %arg10[%dma_start3A_24, %dma_start3A_30] : memref<80x128xi32, #tpu.memory_space<vmem>> -> memref<1x128xi32, #tpu.memory_space<vmem>>
    %dma_start3A_32 = tpu.memref_squeeze %dma_start3A_31 : memref<1x128xi32, #tpu.memory_space<vmem>> -> memref<128xi32, #tpu.memory_space<vmem>>
    %dma_start3A_33 = arith.constant 0 : i32
    %dma_start3A_34 = arith.constant 0 : i32
    %dma_start3A_35 = tpu.memref_slice %arg4[%dma_start3A_33, %dma_start3A_34] : memref<10000x32xf32, #tpu.memory_space<hbm>> -> memref<10000x32xf32, #tpu.memory_space<hbm>>
    tpu.enqueue_indirect_dma source(%dma_start3A_35 : memref<10000x32xf32, #tpu.memory_space<hbm>>) target(%dma_start3A_29 : memref<128x32xf32, #tpu.memory_space<vmem>>) offsets(%dma_start3A_32 : memref<128xi32, #tpu.memory_space<vmem>>) semaphore(%arg18 : memref<!tpu.dma_semaphore, #tpu.memory_space<semaphore_mem>>)
    %dma_start3A_36 = arith.constant 3 : i32
    %dma_start3A_37 = arith.constant 3 : i32
    %dma_start3A_38 = arith.constant 0 : i32
    %dma_start3A_39 = arith.constant 0 : i32
    %dma_start3A_40 = tpu.memref_slice %arg13[%dma_start3A_37, %dma_start3A_38, %dma_start3A_39] : memref<4x128x32xf32, #tpu.memory_space<vmem>> -> memref<1x128x32xf32, #tpu.memory_space<vmem>>
    %dma_start3A_41 = tpu.memref_squeeze %dma_start3A_40 : memref<1x128x32xf32, #tpu.memory_space<vmem>> -> memref<128x32xf32, #tpu.memory_space<vmem>>
    %dma_start3A_42 = arith.constant 0 : i32
    %dma_start3A_43 = tpu.memref_slice %arg10[%dma_start3A_36, %dma_start3A_42] : memref<80x128xi32, #tpu.memory_space<vmem>> -> memref<1x128xi32, #tpu.memory_space<vmem>>
    %dma_start3A_44 = tpu.memref_squeeze %dma_start3A_43 : memref<1x128xi32, #tpu.memory_space<vmem>> -> memref<128xi32, #tpu.memory_space<vmem>>
    %dma_start3A_45 = arith.constant 0 : i32
    %dma_start3A_46 = arith.constant 0 : i32
    %dma_start3A_47 = tpu.memref_slice %arg4[%dma_start3A_45, %dma_start3A_46] : memref<10000x32xf32, #tpu.memory_space<hbm>> -> memref<10000x32xf32, #tpu.memory_space<hbm>>
    tpu.enqueue_indirect_dma source(%dma_start3A_47 : memref<10000x32xf32, #tpu.memory_space<hbm>>) target(%dma_start3A_41 : memref<128x32xf32, #tpu.memory_space<vmem>>) offsets(%dma_start3A_44 : memref<128xi32, #tpu.memory_space<vmem>>) semaphore(%arg19 : memref<!tpu.dma_semaphore, #tpu.memory_space<semaphore_mem>>)
    %dma_start3A_48 = arith.constant 0 : i32
    %dma_start3A_49 = arith.constant 0 : i32
    %dma_start3A_50 = arith.constant 0 : i32
    %dma_start3A_51 = arith.constant 0 : i32
    %dma_start3A_52 = tpu.memref_slice %arg14[%dma_start3A_49, %dma_start3A_50, %dma_start3A_51] : memref<4x128x32xf32, #tpu.memory_space<vmem>> -> memref<1x128x32xf32, #tpu.memory_space<vmem>>
    %dma_start3A_53 = tpu.memref_squeeze %dma_start3A_52 : memref<1x128x32xf32, #tpu.memory_space<vmem>> -> memref<128x32xf32, #tpu.memory_space<vmem>>
    %dma_start3A_54 = arith.constant 0 : i32
    %dma_start3A_55 = tpu.memref_slice %arg11[%dma_start3A_48, %dma_start3A_54] : memref<4x128xi32, #tpu.memory_space<vmem>> -> memref<1x128xi32, #tpu.memory_space<vmem>>
    %dma_start3A_56 = tpu.memref_squeeze %dma_start3A_55 : memref<1x128xi32, #tpu.memory_space<vmem>> -> memref<128xi32, #tpu.memory_space<vmem>>
    %dma_start3A_57 = arith.constant 0 : i32
    %dma_start3A_58 = arith.constant 0 : i32
    %dma_start3A_59 = tpu.memref_slice %arg2[%dma_start3A_57, %dma_start3A_58] : memref<100001x32xf32, #tpu.memory_space<hbm>> -> memref<100001x32xf32, #tpu.memory_space<hbm>>
    tpu.enqueue_indirect_dma source(%dma_start3A_59 : memref<100001x32xf32, #tpu.memory_space<hbm>>) target(%dma_start3A_53 : memref<128x32xf32, #tpu.memory_space<vmem>>) offsets(%dma_start3A_56 : memref<128xi32, #tpu.memory_space<vmem>>) semaphore(%arg20 : memref<!tpu.dma_semaphore, #tpu.memory_space<semaphore_mem>>)
    %dma_start3A_60 = arith.constant 1 : i32
    %dma_start3A_61 = arith.constant 1 : i32
    %dma_start3A_62 = arith.constant 0 : i32
    %dma_start3A_63 = arith.constant 0 : i32
    %dma_start3A_64 = tpu.memref_slice %arg14[%dma_start3A_61, %dma_start3A_62, %dma_start3A_63] : memref<4x128x32xf32, #tpu.memory_space<vmem>> -> memref<1x128x32xf32, #tpu.memory_space<vmem>>
    %dma_start3A_65 = tpu.memref_squeeze %dma_start3A_64 : memref<1x128x32xf32, #tpu.memory_space<vmem>> -> memref<128x32xf32, #tpu.memory_space<vmem>>
    %dma_start3A_66 = arith.constant 0 : i32
    %dma_start3A_67 = tpu.memref_slice %arg11[%dma_start3A_60, %dma_start3A_66] : memref<4x128xi32, #tpu.memory_space<vmem>> -> memref<1x128xi32, #tpu.memory_space<vmem>>
    %dma_start3A_68 = tpu.memref_squeeze %dma_start3A_67 : memref<1x128xi32, #tpu.memory_space<vmem>> -> memref<128xi32, #tpu.memory_space<vmem>>
    %dma_start3A_69 = arith.constant 0 : i32
    %dma_start3A_70 = arith.constant 0 : i32
    %dma_start3A_71 = tpu.memref_slice %arg2[%dma_start3A_69, %dma_start3A_70] : memref<100001x32xf32, #tpu.memory_space<hbm>> -> memref<100001x32xf32, #tpu.memory_space<hbm>>
    tpu.enqueue_indirect_dma source(%dma_start3A_71 : memref<100001x32xf32, #tpu.memory_space<hbm>>) target(%dma_start3A_65 : memref<128x32xf32, #tpu.memory_space<vmem>>) offsets(%dma_start3A_68 : memref<128xi32, #tpu.memory_space<vmem>>) semaphore(%arg20 : memref<!tpu.dma_semaphore, #tpu.memory_space<semaphore_mem>>)
    %dma_start3A_72 = arith.constant 2 : i32
    %dma_start3A_73 = arith.constant 2 : i32
    %dma_start3A_74 = arith.constant 0 : i32
    %dma_start3A_75 = arith.constant 0 : i32
    %dma_start3A_76 = tpu.memref_slice %arg14[%dma_start3A_73, %dma_start3A_74, %dma_start3A_75] : memref<4x128x32xf32, #tpu.memory_space<vmem>> -> memref<1x128x32xf32, #tpu.memory_space<vmem>>
    %dma_start3A_77 = tpu.memref_squeeze %dma_start3A_76 : memref<1x128x32xf32, #tpu.memory_space<vmem>> -> memref<128x32xf32, #tpu.memory_space<vmem>>
    %dma_start3A_78 = arith.constant 0 : i32
    %dma_start3A_79 = tpu.memref_slice %arg11[%dma_start3A_72, %dma_start3A_78] : memref<4x128xi32, #tpu.memory_space<vmem>> -> memref<1x128xi32, #tpu.memory_space<vmem>>
    %dma_start3A_80 = tpu.memref_squeeze %dma_start3A_79 : memref<1x128xi32, #tpu.memory_space<vmem>> -> memref<128xi32, #tpu.memory_space<vmem>>
    %dma_start3A_81 = arith.constant 0 : i32
    %dma_start3A_82 = arith.constant 0 : i32
    %dma_start3A_83 = tpu.memref_slice %arg2[%dma_start3A_81, %dma_start3A_82] : memref<100001x32xf32, #tpu.memory_space<hbm>> -> memref<100001x32xf32, #tpu.memory_space<hbm>>
    tpu.enqueue_indirect_dma source(%dma_start3A_83 : memref<100001x32xf32, #tpu.memory_space<hbm>>) target(%dma_start3A_77 : memref<128x32xf32, #tpu.memory_space<vmem>>) offsets(%dma_start3A_80 : memref<128xi32, #tpu.memory_space<vmem>>) semaphore(%arg20 : memref<!tpu.dma_semaphore, #tpu.memory_space<semaphore_mem>>)
    %dma_start3A_84 = arith.constant 3 : i32
    %dma_start3A_85 = arith.constant 3 : i32
    %dma_start3A_86 = arith.constant 0 : i32
    %dma_start3A_87 = arith.constant 0 : i32
    %dma_start3A_88 = tpu.memref_slice %arg14[%dma_start3A_85, %dma_start3A_86, %dma_start3A_87] : memref<4x128x32xf32, #tpu.memory_space<vmem>> -> memref<1x128x32xf32, #tpu.memory_space<vmem>>
    %dma_start3A_89 = tpu.memref_squeeze %dma_start3A_88 : memref<1x128x32xf32, #tpu.memory_space<vmem>> -> memref<128x32xf32, #tpu.memory_space<vmem>>
    %dma_start3A_90 = arith.constant 0 : i32
    %dma_start3A_91 = tpu.memref_slice %arg11[%dma_start3A_84, %dma_start3A_90] : memref<4x128xi32, #tpu.memory_space<vmem>> -> memref<1x128xi32, #tpu.memory_space<vmem>>
    %dma_start3A_92 = tpu.memref_squeeze %dma_start3A_91 : memref<1x128xi32, #tpu.memory_space<vmem>> -> memref<128xi32, #tpu.memory_space<vmem>>
    %dma_start3A_93 = arith.constant 0 : i32
    %dma_start3A_94 = arith.constant 0 : i32
    %dma_start3A_95 = tpu.memref_slice %arg2[%dma_start3A_93, %dma_start3A_94] : memref<100001x32xf32, #tpu.memory_space<hbm>> -> memref<100001x32xf32, #tpu.memory_space<hbm>>
    tpu.enqueue_indirect_dma source(%dma_start3A_95 : memref<100001x32xf32, #tpu.memory_space<hbm>>) target(%dma_start3A_89 : memref<128x32xf32, #tpu.memory_space<vmem>>) offsets(%dma_start3A_92 : memref<128xi32, #tpu.memory_space<vmem>>) semaphore(%arg20 : memref<!tpu.dma_semaphore, #tpu.memory_space<semaphore_mem>>)
    %mul3A_96 = arith.constant 512 : i32
    %mul3A_97 = arith.muli %arg1, %mul3A_96 : i32
    %broadcast_in_dim3A = vector.broadcast %mul3A_97 : i32 to vector<16xi32>
    %add3A_98 = arith.constant 8192 : i32
    %add3A_99 = arith.addi %add3A_98, %arg1 : i32
    %broadcast_in_dim3A_100 = vector.broadcast %add3A_99 : i32 to vector<16xi32>
    %scan3A = arith.constant 0 : i32
    %scan3A_101 = arith.constant 0 : i32
    %scan3A_102 = arith.constant 640 : i32
    %scan3A_103 = arith.addi %scan3A_101, %scan3A_102 : i32
    %scan3A_104 = arith.constant 1 : i32
    scf.for %scan3A_252 = %scan3A_101 to %scan3A_103 step %scan3A_104  : i32 {
      %jit3A = arith.constant 8 : i32
      %div3A = arith.divsi %scan3A_252, %jit3A : i32
      %sign3A = arith.constant 0 : i32
      %sign3A_253 = arith.cmpi sgt, %scan3A_252, %sign3A : i32
      %sign3A_254 = arith.extui %sign3A_253 : i1 to i32
      %sign3A_255 = arith.constant 0 : i32
      %sign3A_256 = arith.cmpi slt, %scan3A_252, %sign3A_255 : i32
      %sign3A_257 = arith.extui %sign3A_256 : i1 to i32
      %sign3A_258 = arith.subi %sign3A_254, %sign3A_257 : i32
      %sign3A_259 = arith.constant 0 : i32
      %sign3A_260 = arith.cmpi sgt, %jit3A, %sign3A_259 : i32
      %sign3A_261 = arith.extui %sign3A_260 : i1 to i32
      %sign3A_262 = arith.constant 0 : i32
      %sign3A_263 = arith.cmpi slt, %jit3A, %sign3A_262 : i32
      %sign3A_264 = arith.extui %sign3A_263 : i1 to i32
      %sign3A_265 = arith.subi %sign3A_261, %sign3A_264 : i32
      %ne3A = arith.cmpi ne, %sign3A_258, %sign3A_265 : i32
      %rem3A = arith.remsi %scan3A_252, %jit3A : i32
      %ne3A_266 = arith.constant 0 : i32
      %ne3A_267 = arith.cmpi ne, %rem3A, %ne3A_266 : i32
      %and3A = arith.andi %ne3A, %ne3A_267 : i1
      %sub3A = arith.constant 1 : i32
      %sub3A_268 = arith.subi %div3A, %sub3A : i32
      %select_n3A = arith.select %and3A, %sub3A_268, %div3A : i32
      %jit3A_269 = arith.constant 8 : i32
      %eq3A = arith.constant 0 : i32
      %eq3A_270 = arith.cmpi eq, %jit3A_269, %eq3A : i32
      %jit3A_271 = arith.constant 1 : i32
      %select_n3A_272 = arith.select %eq3A_270, %jit3A_271, %jit3A_269 : i32
      %rem3A_273 = arith.remsi %scan3A_252, %select_n3A_272 : i32
      %ne3A_274 = arith.constant 0 : i32
      %ne3A_275 = arith.cmpi ne, %rem3A_273, %ne3A_274 : i32
      %lt3A = arith.constant 0 : i32
      %lt3A_276 = arith.cmpi slt, %rem3A_273, %lt3A : i32
      %lt3A_277 = arith.constant 0 : i32
      %lt3A_278 = arith.cmpi slt, %select_n3A_272, %lt3A_277 : i32
      %ne3A_279 = arith.xori %lt3A_276, %lt3A_278 : i1
      %and3A_280 = arith.andi %ne3A_279, %ne3A_275 : i1
      %add3A_281 = arith.addi %rem3A_273, %select_n3A_272 : i32
      %select_n3A_282 = arith.select %and3A_280, %add3A_281, %rem3A_273 : i32
      %mul3A_283 = arith.constant 16 : i32
      %mul3A_284 = arith.muli %select_n3A_282, %mul3A_283 : i32
      %get3A = arith.index_cast %select_n3A : i32 to index
      %get3A_285 = arith.index_cast %mul3A_284 : i32 to index
      %get3A_286 = tpu.vector_load %arg10[%get3A, %get3A_285] {strides = array<i32>} : memref<80x128xi32, #tpu.memory_space<vmem>>, vector<1x16xi32>,
      %get3A_287 = vector.shape_cast %get3A_286 : vector<1x16xi32> to vector<16xi32>
      %eq3A_288 = arith.constant 0 : i32
      %eq3A_289 = vector.broadcast %eq3A_288 : i32 to vector<16xi32>
      %eq3A_290 = arith.cmpi eq, %get3A_287, %eq3A_289 : vector<16xi32>
      %mul3A_291 = arith.constant 16 : i32
      %mul3A_292 = arith.muli %select_n3A_282, %mul3A_291 : i32
      %get3A_293 = arith.index_cast %select_n3A : i32 to index
      %get3A_294 = arith.index_cast %mul3A_292 : i32 to index
      %get3A_295 = tpu.vector_load %arg9[%get3A_293, %get3A_294] {strides = array<i32>} : memref<80x128xi32, #tpu.memory_space<vmem>>, vector<1x16xi32>,
      %get3A_296 = vector.shape_cast %get3A_295 : vector<1x16xi32> to vector<16xi32>
      %add3A_297 = arith.addi %get3A_296, %broadcast_in_dim3A : vector<16xi32>
      %select_n3A_298 = arith.select %eq3A_290, %broadcast_in_dim3A_100, %add3A_297 : vector<16xi1>, vector<16xi32>
      %mul3A_299 = arith.constant 16 : i32
      %mul3A_300 = arith.muli %select_n3A_282, %mul3A_299 : i32
      %swap3A = arith.index_cast %select_n3A : i32 to index
      %swap3A_301 = arith.index_cast %mul3A_300 : i32 to index
      %swap3A_302 = tpu.vector_load %arg9[%swap3A, %swap3A_301] {strides = array<i32>} : memref<80x128xi32, #tpu.memory_space<vmem>>, vector<1x16xi32>,
      %swap3A_303 = vector.shape_cast %swap3A_302 : vector<1x16xi32> to vector<16xi32>
      %swap3A_304 = vector.shape_cast %select_n3A_298 : vector<16xi32> to vector<1x16xi32>
      tpu.vector_store %arg9[%swap3A, %swap3A_301], %swap3A_304 {strides = array<i32>} : memref<80x128xi32, #tpu.memory_space<vmem>>, vector<1x16xi32>,
    }
    %scan3A_105 = arith.constant 640 : i32
    %broadcast_in_dim3A_106 = arith.constant 0.000000e+00 : f32
    %broadcast_in_dim3A_107 = vector.broadcast %broadcast_in_dim3A_106 : f32 to vector<16xf32>
    %scan3A_108 = arith.constant 0 : i32
    %scan3A_109 = arith.constant 0 : i32
    %scan3A_110 = arith.constant 128 : i32
    %scan3A_111 = arith.addi %scan3A_109, %scan3A_110 : i32
    %scan3A_112 = arith.constant 1 : i32
    scf.for %scan3A_252 = %scan3A_109 to %scan3A_111 step %scan3A_112  : i32 {
      %swap3A = arith.index_cast %scan3A_252 : i32 to index
      %swap3A_253 = arith.constant 0 : index
      %swap3A_254 = tpu.vector_load %arg12[%swap3A, %swap3A_253] {strides = array<i32>} : memref<128x32xf32, #tpu.memory_space<vmem>>, vector<1x16xf32>,
      %swap3A_255 = vector.shape_cast %swap3A_254 : vector<1x16xf32> to vector<16xf32>
      %swap3A_256 = vector.shape_cast %broadcast_in_dim3A_107 : vector<16xf32> to vector<1x16xf32>
      tpu.vector_store %arg12[%swap3A, %swap3A_253], %swap3A_256 {strides = array<i32>} : memref<128x32xf32, #tpu.memory_space<vmem>>, vector<1x16xf32>,
      %swap3A_257 = arith.index_cast %scan3A_252 : i32 to index
      %swap3A_258 = arith.constant 16 : index
      %swap3A_259 = tpu.vector_load %arg12[%swap3A_257, %swap3A_258] {strides = array<i32>} : memref<128x32xf32, #tpu.memory_space<vmem>>, vector<1x16xf32>,
      %swap3A_260 = vector.shape_cast %swap3A_259 : vector<1x16xf32> to vector<16xf32>
      %swap3A_261 = vector.shape_cast %broadcast_in_dim3A_107 : vector<16xf32> to vector<1x16xf32>
      tpu.vector_store %arg12[%swap3A_257, %swap3A_258], %swap3A_261 {strides = array<i32>} : memref<128x32xf32, #tpu.memory_space<vmem>>, vector<1x16xf32>,
    }
    %scan3A_113 = arith.constant 128 : i32
    %scan3A_114 = arith.constant 0 : i32
    %scan3A_115 = arith.constant 0 : i32
    %scan3A_116 = arith.constant 4 : i32
    %scan3A_117 = arith.addi %scan3A_115, %scan3A_116 : i32
    %scan3A_118 = arith.constant 1 : i32
    scf.for %scan3A_252 = %scan3A_115 to %scan3A_117 step %scan3A_118  : i32 {
      %mul3A_253 = arith.constant 512 : i32
      %mul3A_254 = arith.muli %arg1, %mul3A_253 : i32
      %mul3A_255 = arith.constant 128 : i32
      %mul3A_256 = arith.muli %scan3A_252, %mul3A_255 : i32
      %add3A_257 = arith.addi %mul3A_254, %mul3A_256 : i32
      "tpu.region"() ({
        %run_scoped3A_258 = tpu.sem_alloc : memref<!tpu.dma_semaphore, #tpu.memory_space<semaphore_mem>>
        %dma_start3A_259 = arith.constant 0 : i32
        %dma_start3A_260 = tpu.memref_slice %arg15[%add3A_257, %dma_start3A_259] : memref<8208x32xf32, #tpu.memory_space<vmem_shared>> -> memref<128x32xf32, #tpu.memory_space<vmem_shared>>
        %dma_start3A_261 = arith.constant 0 : i32
        %dma_start3A_262 = tpu.memref_slice %arg15[%add3A_257, %dma_start3A_261] : memref<8208x32xf32, #tpu.memory_space<vmem_shared>> -> memref<128x32xf32, #tpu.memory_space<vmem_shared>>
        tpu.enqueue_dma source(%arg12 : memref<128x32xf32, #tpu.memory_space<vmem>>) target(%dma_start3A_262 : memref<128x32xf32, #tpu.memory_space<vmem_shared>>) target_semaphore(%run_scoped3A_258 : memref<!tpu.dma_semaphore, #tpu.memory_space<semaphore_mem>>)
        %dma_wait3A_263 = arith.constant 0 : i32
        %dma_wait3A_264 = tpu.memref_slice %arg15[%add3A_257, %dma_wait3A_263] : memref<8208x32xf32, #tpu.memory_space<vmem_shared>> -> memref<128x32xf32, #tpu.memory_space<vmem_shared>>
        %dma_wait3A_265 = arith.constant 0 : i32
        %dma_wait3A_266 = tpu.memref_slice %arg15[%add3A_257, %dma_wait3A_265] : memref<8208x32xf32, #tpu.memory_space<vmem_shared>> -> memref<128x32xf32, #tpu.memory_space<vmem_shared>>
        tpu.wait_dma2 semaphore(%run_scoped3A_258 : memref<!tpu.dma_semaphore, #tpu.memory_space<semaphore_mem>>) src(%arg12 : memref<128x32xf32, #tpu.memory_space<vmem>>) dst(%dma_wait3A_266 : memref<128x32xf32, #tpu.memory_space<vmem_shared>>)
        tpu.yield
      }) : () -> ()
    }
    %scan3A_119 = arith.constant 4 : i32
    %scan3A_120 = arith.constant 0 : i32
    %scan3A_121 = arith.constant 0 : i32
    %scan3A_122 = arith.constant 19 : i32
    %scan3A_123 = arith.addi %scan3A_121, %scan3A_122 : i32
    %scan3A_124 = arith.constant 1 : i32
    scf.for %scan3A_252 = %scan3A_121 to %scan3A_123 step %scan3A_124  : i32 {
      %mul3A_253 = arith.constant 4 : i32
      %mul3A_254 = arith.muli %scan3A_252, %mul3A_253 : i32
      %add3A_255 = arith.constant 0 : i32
      %add3A_256 = arith.addi %mul3A_254, %add3A_255 : i32
      %dma_wait3A_257 = arith.constant 0 : i32
      %dma_wait3A_258 = arith.constant 0 : i32
      %dma_wait3A_259 = arith.constant 0 : i32
      %dma_wait3A_260 = tpu.memref_slice %arg13[%dma_wait3A_257, %dma_wait3A_258, %dma_wait3A_259] : memref<4x128x32xf32, #tpu.memory_space<vmem>> -> memref<1x128x32xf32, #tpu.memory_space<vmem>>
      %dma_wait3A_261 = tpu.memref_squeeze %dma_wait3A_260 : memref<1x128x32xf32, #tpu.memory_space<vmem>> -> memref<128x32xf32, #tpu.memory_space<vmem>>
      %dma_wait3A_262 = arith.constant 0 : i32
      %dma_wait3A_263 = tpu.memref_slice %arg10[%add3A_256, %dma_wait3A_262] : memref<80x128xi32, #tpu.memory_space<vmem>> -> memref<1x128xi32, #tpu.memory_space<vmem>>
      %dma_wait3A_264 = tpu.memref_squeeze %dma_wait3A_263 : memref<1x128xi32, #tpu.memory_space<vmem>> -> memref<128xi32, #tpu.memory_space<vmem>>
      %dma_wait3A_265 = arith.constant 0 : i32
      %dma_wait3A_266 = arith.constant 0 : i32
      %dma_wait3A_267 = tpu.memref_slice %arg4[%dma_wait3A_265, %dma_wait3A_266] : memref<10000x32xf32, #tpu.memory_space<hbm>> -> memref<10000x32xf32, #tpu.memory_space<hbm>>
      tpu.wait_indirect_dma semaphore(%arg16 : memref<!tpu.dma_semaphore, #tpu.memory_space<semaphore_mem>>) src(%dma_wait3A_267 : memref<10000x32xf32, #tpu.memory_space<hbm>>) dst(%dma_wait3A_261 : memref<128x32xf32, #tpu.memory_space<vmem>>)
      %run_scoped3A_268 = arith.constant 0 : i32
      "tpu.region"() ({
        %run_scoped3A_369 = tpu.sem_alloc : memref<!tpu.dma_semaphore, #tpu.memory_space<semaphore_mem>>
        %dma_start3A_370 = arith.constant 0 : i32
        %dma_start3A_371 = arith.constant 0 : i32
        %dma_start3A_372 = tpu.memref_slice %arg13[%run_scoped3A_268, %dma_start3A_370, %dma_start3A_371] : memref<4x128x32xf32, #tpu.memory_space<vmem>> -> memref<1x128x32xf32, #tpu.memory_space<vmem>>
        %dma_start3A_373 = tpu.memref_squeeze %dma_start3A_372 : memref<1x128x32xf32, #tpu.memory_space<vmem>> -> memref<128x32xf32, #tpu.memory_space<vmem>>
        %dma_start3A_374 = arith.constant 0 : i32
        %dma_start3A_375 = tpu.memref_slice %arg9[%add3A_256, %dma_start3A_374] : memref<80x128xi32, #tpu.memory_space<vmem>> -> memref<1x128xi32, #tpu.memory_space<vmem>>
        %dma_start3A_376 = tpu.memref_squeeze %dma_start3A_375 : memref<1x128xi32, #tpu.memory_space<vmem>> -> memref<128xi32, #tpu.memory_space<vmem>>
        %dma_start3A_377 = arith.constant 0 : i32
        %dma_start3A_378 = arith.constant 0 : i32
        %dma_start3A_379 = tpu.memref_slice %arg15[%dma_start3A_377, %dma_start3A_378] : memref<8208x32xf32, #tpu.memory_space<vmem_shared>> -> memref<8208x32xf32, #tpu.memory_space<vmem_shared>>
        tpu.enqueue_indirect_dma source(%dma_start3A_373 : memref<128x32xf32, #tpu.memory_space<vmem>>) target(%dma_start3A_379 : memref<8208x32xf32, #tpu.memory_space<vmem_shared>>) offsets(%dma_start3A_376 : memref<128xi32, #tpu.memory_space<vmem>>) semaphore(%run_scoped3A_369 : memref<!tpu.dma_semaphore, #tpu.memory_space<semaphore_mem>>) {add = true}
        %dma_wait3A_380 = arith.constant 0 : i32
        %dma_wait3A_381 = arith.constant 0 : i32
        %dma_wait3A_382 = tpu.memref_slice %arg13[%run_scoped3A_268, %dma_wait3A_380, %dma_wait3A_381] : memref<4x128x32xf32, #tpu.memory_space<vmem>> -> memref<1x128x32xf32, #tpu.memory_space<vmem>>
        %dma_wait3A_383 = tpu.memref_squeeze %dma_wait3A_382 : memref<1x128x32xf32, #tpu.memory_space<vmem>> -> memref<128x32xf32, #tpu.memory_space<vmem>>
        %dma_wait3A_384 = arith.constant 0 : i32
        %dma_wait3A_385 = tpu.memref_slice %arg9[%add3A_256, %dma_wait3A_384] : memref<80x128xi32, #tpu.memory_space<vmem>> -> memref<1x128xi32, #tpu.memory_space<vmem>>
        %dma_wait3A_386 = tpu.memref_squeeze %dma_wait3A_385 : memref<1x128xi32, #tpu.memory_space<vmem>> -> memref<128xi32, #tpu.memory_space<vmem>>
        %dma_wait3A_387 = arith.constant 0 : i32
        %dma_wait3A_388 = arith.constant 0 : i32
        %dma_wait3A_389 = tpu.memref_slice %arg15[%dma_wait3A_387, %dma_wait3A_388] : memref<8208x32xf32, #tpu.memory_space<vmem_shared>> -> memref<8208x32xf32, #tpu.memory_space<vmem_shared>>
        tpu.wait_indirect_dma semaphore(%run_scoped3A_369 : memref<!tpu.dma_semaphore, #tpu.memory_space<semaphore_mem>>) src(%dma_wait3A_383 : memref<128x32xf32, #tpu.memory_space<vmem>>) dst(%dma_wait3A_389 : memref<8208x32xf32, #tpu.memory_space<vmem_shared>>)
        tpu.yield
      }) : () -> ()
      %add3A_269 = arith.constant 4 : i32
      %add3A_270 = arith.addi %add3A_256, %add3A_269 : i32
      %dma_start3A_271 = arith.constant 0 : i32
      %dma_start3A_272 = arith.constant 0 : i32
      %dma_start3A_273 = arith.constant 0 : i32
      %dma_start3A_274 = tpu.memref_slice %arg13[%dma_start3A_271, %dma_start3A_272, %dma_start3A_273] : memref<4x128x32xf32, #tpu.memory_space<vmem>> -> memref<1x128x32xf32, #tpu.memory_space<vmem>>
      %dma_start3A_275 = tpu.memref_squeeze %dma_start3A_274 : memref<1x128x32xf32, #tpu.memory_space<vmem>> -> memref<128x32xf32, #tpu.memory_space<vmem>>
      %dma_start3A_276 = arith.constant 0 : i32
      %dma_start3A_277 = tpu.memref_slice %arg10[%add3A_270, %dma_start3A_276] : memref<80x128xi32, #tpu.memory_space<vmem>> -> memref<1x128xi32, #tpu.memory_space<vmem>>
      %dma_start3A_278 = tpu.memref_squeeze %dma_start3A_277 : memref<1x128xi32, #tpu.memory_space<vmem>> -> memref<128xi32, #tpu.memory_space<vmem>>
      %dma_start3A_279 = arith.constant 0 : i32
      %dma_start3A_280 = arith.constant 0 : i32
      %dma_start3A_281 = tpu.memref_slice %arg4[%dma_start3A_279, %dma_start3A_280] : memref<10000x32xf32, #tpu.memory_space<hbm>> -> memref<10000x32xf32, #tpu.memory_space<hbm>>
      tpu.enqueue_indirect_dma source(%dma_start3A_281 : memref<10000x32xf32, #tpu.memory_space<hbm>>) target(%dma_start3A_275 : memref<128x32xf32, #tpu.memory_space<vmem>>) offsets(%dma_start3A_278 : memref<128xi32, #tpu.memory_space<vmem>>) semaphore(%arg16 : memref<!tpu.dma_semaphore, #tpu.memory_space<semaphore_mem>>)
      %mul3A_282 = arith.constant 4 : i32
      %mul3A_283 = arith.muli %scan3A_252, %mul3A_282 : i32
      %add3A_284 = arith.constant 1 : i32
      %add3A_285 = arith.addi %mul3A_283, %add3A_284 : i32
      %dma_wait3A_286 = arith.constant 1 : i32
      %dma_wait3A_287 = arith.constant 0 : i32
      %dma_wait3A_288 = arith.constant 0 : i32
      %dma_wait3A_289 = tpu.memref_slice %arg13[%dma_wait3A_286, %dma_wait3A_287, %dma_wait3A_288] : memref<4x128x32xf32, #tpu.memory_space<vmem>> -> memref<1x128x32xf32, #tpu.memory_space<vmem>>
      %dma_wait3A_290 = tpu.memref_squeeze %dma_wait3A_289 : memref<1x128x32xf32, #tpu.memory_space<vmem>> -> memref<128x32xf32, #tpu.memory_space<vmem>>
      %dma_wait3A_291 = arith.constant 0 : i32
      %dma_wait3A_292 = tpu.memref_slice %arg10[%add3A_285, %dma_wait3A_291] : memref<80x128xi32, #tpu.memory_space<vmem>> -> memref<1x128xi32, #tpu.memory_space<vmem>>
      %dma_wait3A_293 = tpu.memref_squeeze %dma_wait3A_292 : memref<1x128xi32, #tpu.memory_space<vmem>> -> memref<128xi32, #tpu.memory_space<vmem>>
      %dma_wait3A_294 = arith.constant 0 : i32
      %dma_wait3A_295 = arith.constant 0 : i32
      %dma_wait3A_296 = tpu.memref_slice %arg4[%dma_wait3A_294, %dma_wait3A_295] : memref<10000x32xf32, #tpu.memory_space<hbm>> -> memref<10000x32xf32, #tpu.memory_space<hbm>>
      tpu.wait_indirect_dma semaphore(%arg17 : memref<!tpu.dma_semaphore, #tpu.memory_space<semaphore_mem>>) src(%dma_wait3A_296 : memref<10000x32xf32, #tpu.memory_space<hbm>>) dst(%dma_wait3A_290 : memref<128x32xf32, #tpu.memory_space<vmem>>)
      %run_scoped3A_297 = arith.constant 1 : i32
      "tpu.region"() ({
        %run_scoped3A_369 = tpu.sem_alloc : memref<!tpu.dma_semaphore, #tpu.memory_space<semaphore_mem>>
        %dma_start3A_370 = arith.constant 0 : i32
        %dma_start3A_371 = arith.constant 0 : i32
        %dma_start3A_372 = tpu.memref_slice %arg13[%run_scoped3A_297, %dma_start3A_370, %dma_start3A_371] : memref<4x128x32xf32, #tpu.memory_space<vmem>> -> memref<1x128x32xf32, #tpu.memory_space<vmem>>
        %dma_start3A_373 = tpu.memref_squeeze %dma_start3A_372 : memref<1x128x32xf32, #tpu.memory_space<vmem>> -> memref<128x32xf32, #tpu.memory_space<vmem>>
        %dma_start3A_374 = arith.constant 0 : i32
        %dma_start3A_375 = tpu.memref_slice %arg9[%add3A_285, %dma_start3A_374] : memref<80x128xi32, #tpu.memory_space<vmem>> -> memref<1x128xi32, #tpu.memory_space<vmem>>
        %dma_start3A_376 = tpu.memref_squeeze %dma_start3A_375 : memref<1x128xi32, #tpu.memory_space<vmem>> -> memref<128xi32, #tpu.memory_space<vmem>>
        %dma_start3A_377 = arith.constant 0 : i32
        %dma_start3A_378 = arith.constant 0 : i32
        %dma_start3A_379 = tpu.memref_slice %arg15[%dma_start3A_377, %dma_start3A_378] : memref<8208x32xf32, #tpu.memory_space<vmem_shared>> -> memref<8208x32xf32, #tpu.memory_space<vmem_shared>>
        tpu.enqueue_indirect_dma source(%dma_start3A_373 : memref<128x32xf32, #tpu.memory_space<vmem>>) target(%dma_start3A_379 : memref<8208x32xf32, #tpu.memory_space<vmem_shared>>) offsets(%dma_start3A_376 : memref<128xi32, #tpu.memory_space<vmem>>) semaphore(%run_scoped3A_369 : memref<!tpu.dma_semaphore, #tpu.memory_space<semaphore_mem>>) {add = true}
        %dma_wait3A_380 = arith.constant 0 : i32
        %dma_wait3A_381 = arith.constant 0 : i32
        %dma_wait3A_382 = tpu.memref_slice %arg13[%run_scoped3A_297, %dma_wait3A_380, %dma_wait3A_381] : memref<4x128x32xf32, #tpu.memory_space<vmem>> -> memref<1x128x32xf32, #tpu.memory_space<vmem>>
        %dma_wait3A_383 = tpu.memref_squeeze %dma_wait3A_382 : memref<1x128x32xf32, #tpu.memory_space<vmem>> -> memref<128x32xf32, #tpu.memory_space<vmem>>
        %dma_wait3A_384 = arith.constant 0 : i32
        %dma_wait3A_385 = tpu.memref_slice %arg9[%add3A_285, %dma_wait3A_384] : memref<80x128xi32, #tpu.memory_space<vmem>> -> memref<1x128xi32, #tpu.memory_space<vmem>>
        %dma_wait3A_386 = tpu.memref_squeeze %dma_wait3A_385 : memref<1x128xi32, #tpu.memory_space<vmem>> -> memref<128xi32, #tpu.memory_space<vmem>>
        %dma_wait3A_387 = arith.constant 0 : i32
        %dma_wait3A_388 = arith.constant 0 : i32
        %dma_wait3A_389 = tpu.memref_slice %arg15[%dma_wait3A_387, %dma_wait3A_388] : memref<8208x32xf32, #tpu.memory_space<vmem_shared>> -> memref<8208x32xf32, #tpu.memory_space<vmem_shared>>
        tpu.wait_indirect_dma semaphore(%run_scoped3A_369 : memref<!tpu.dma_semaphore, #tpu.memory_space<semaphore_mem>>) src(%dma_wait3A_383 : memref<128x32xf32, #tpu.memory_space<vmem>>) dst(%dma_wait3A_389 : memref<8208x32xf32, #tpu.memory_space<vmem_shared>>)
        tpu.yield
      }) : () -> ()
      %add3A_298 = arith.constant 4 : i32
      %add3A_299 = arith.addi %add3A_285, %add3A_298 : i32
      %dma_start3A_300 = arith.constant 1 : i32
      %dma_start3A_301 = arith.constant 0 : i32
      %dma_start3A_302 = arith.constant 0 : i32
      %dma_start3A_303 = tpu.memref_slice %arg13[%dma_start3A_300, %dma_start3A_301, %dma_start3A_302] : memref<4x128x32xf32, #tpu.memory_space<vmem>> -> memref<1x128x32xf32, #tpu.memory_space<vmem>>
      %dma_start3A_304 = tpu.memref_squeeze %dma_start3A_303 : memref<1x128x32xf32, #tpu.memory_space<vmem>> -> memref<128x32xf32, #tpu.memory_space<vmem>>
      %dma_start3A_305 = arith.constant 0 : i32
      %dma_start3A_306 = tpu.memref_slice %arg10[%add3A_299, %dma_start3A_305] : memref<80x128xi32, #tpu.memory_space<vmem>> -> memref<1x128xi32, #tpu.memory_space<vmem>>
      %dma_start3A_307 = tpu.memref_squeeze %dma_start3A_306 : memref<1x128xi32, #tpu.memory_space<vmem>> -> memref<128xi32, #tpu.memory_space<vmem>>
      %dma_start3A_308 = arith.constant 0 : i32
      %dma_start3A_309 = arith.constant 0 : i32
      %dma_start3A_310 = tpu.memref_slice %arg4[%dma_start3A_308, %dma_start3A_309] : memref<10000x32xf32, #tpu.memory_space<hbm>> -> memref<10000x32xf32, #tpu.memory_space<hbm>>
      tpu.enqueue_indirect_dma source(%dma_start3A_310 : memref<10000x32xf32, #tpu.memory_space<hbm>>) target(%dma_start3A_304 : memref<128x32xf32, #tpu.memory_space<vmem>>) offsets(%dma_start3A_307 : memref<128xi32, #tpu.memory_space<vmem>>) semaphore(%arg17 : memref<!tpu.dma_semaphore, #tpu.memory_space<semaphore_mem>>)
      %mul3A_311 = arith.constant 4 : i32
      %mul3A_312 = arith.muli %scan3A_252, %mul3A_311 : i32
      %add3A_313 = arith.constant 2 : i32
      %add3A_314 = arith.addi %mul3A_312, %add3A_313 : i32
      %dma_wait3A_315 = arith.constant 2 : i32
      %dma_wait3A_316 = arith.constant 0 : i32
      %dma_wait3A_317 = arith.constant 0 : i32
      %dma_wait3A_318 = tpu.memref_slice %arg13[%dma_wait3A_315, %dma_wait3A_316, %dma_wait3A_317] : memref<4x128x32xf32, #tpu.memory_space<vmem>> -> memref<1x128x32xf32, #tpu.memory_space<vmem>>
      %dma_wait3A_319 = tpu.memref_squeeze %dma_wait3A_318 : memref<1x128x32xf32, #tpu.memory_space<vmem>> -> memref<128x32xf32, #tpu.memory_space<vmem>>
      %dma_wait3A_320 = arith.constant 0 : i32
      %dma_wait3A_321 = tpu.memref_slice %arg10[%add3A_314, %dma_wait3A_320] : memref<80x128xi32, #tpu.memory_space<vmem>> -> memref<1x128xi32, #tpu.memory_space<vmem>>
      %dma_wait3A_322 = tpu.memref_squeeze %dma_wait3A_321 : memref<1x128xi32, #tpu.memory_space<vmem>> -> memref<128xi32, #tpu.memory_space<vmem>>
      %dma_wait3A_323 = arith.constant 0 : i32
      %dma_wait3A_324 = arith.constant 0 : i32
      %dma_wait3A_325 = tpu.memref_slice %arg4[%dma_wait3A_323, %dma_wait3A_324] : memref<10000x32xf32, #tpu.memory_space<hbm>> -> memref<10000x32xf32, #tpu.memory_space<hbm>>
      tpu.wait_indirect_dma semaphore(%arg18 : memref<!tpu.dma_semaphore, #tpu.memory_space<semaphore_mem>>) src(%dma_wait3A_325 : memref<10000x32xf32, #tpu.memory_space<hbm>>) dst(%dma_wait3A_319 : memref<128x32xf32, #tpu.memory_space<vmem>>)
      %run_scoped3A_326 = arith.constant 2 : i32
      "tpu.region"() ({
        %run_scoped3A_369 = tpu.sem_alloc : memref<!tpu.dma_semaphore, #tpu.memory_space<semaphore_mem>>
        %dma_start3A_370 = arith.constant 0 : i32
        %dma_start3A_371 = arith.constant 0 : i32
        %dma_start3A_372 = tpu.memref_slice %arg13[%run_scoped3A_326, %dma_start3A_370, %dma_start3A_371] : memref<4x128x32xf32, #tpu.memory_space<vmem>> -> memref<1x128x32xf32, #tpu.memory_space<vmem>>
        %dma_start3A_373 = tpu.memref_squeeze %dma_start3A_372 : memref<1x128x32xf32, #tpu.memory_space<vmem>> -> memref<128x32xf32, #tpu.memory_space<vmem>>
        %dma_start3A_374 = arith.constant 0 : i32
        %dma_start3A_375 = tpu.memref_slice %arg9[%add3A_314, %dma_start3A_374] : memref<80x128xi32, #tpu.memory_space<vmem>> -> memref<1x128xi32, #tpu.memory_space<vmem>>
        %dma_start3A_376 = tpu.memref_squeeze %dma_start3A_375 : memref<1x128xi32, #tpu.memory_space<vmem>> -> memref<128xi32, #tpu.memory_space<vmem>>
        %dma_start3A_377 = arith.constant 0 : i32
        %dma_start3A_378 = arith.constant 0 : i32
        %dma_start3A_379 = tpu.memref_slice %arg15[%dma_start3A_377, %dma_start3A_378] : memref<8208x32xf32, #tpu.memory_space<vmem_shared>> -> memref<8208x32xf32, #tpu.memory_space<vmem_shared>>
        tpu.enqueue_indirect_dma source(%dma_start3A_373 : memref<128x32xf32, #tpu.memory_space<vmem>>) target(%dma_start3A_379 : memref<8208x32xf32, #tpu.memory_space<vmem_shared>>) offsets(%dma_start3A_376 : memref<128xi32, #tpu.memory_space<vmem>>) semaphore(%run_scoped3A_369 : memref<!tpu.dma_semaphore, #tpu.memory_space<semaphore_mem>>) {add = true}
        %dma_wait3A_380 = arith.constant 0 : i32
        %dma_wait3A_381 = arith.constant 0 : i32
        %dma_wait3A_382 = tpu.memref_slice %arg13[%run_scoped3A_326, %dma_wait3A_380, %dma_wait3A_381] : memref<4x128x32xf32, #tpu.memory_space<vmem>> -> memref<1x128x32xf32, #tpu.memory_space<vmem>>
        %dma_wait3A_383 = tpu.memref_squeeze %dma_wait3A_382 : memref<1x128x32xf32, #tpu.memory_space<vmem>> -> memref<128x32xf32, #tpu.memory_space<vmem>>
        %dma_wait3A_384 = arith.constant 0 : i32
        %dma_wait3A_385 = tpu.memref_slice %arg9[%add3A_314, %dma_wait3A_384] : memref<80x128xi32, #tpu.memory_space<vmem>> -> memref<1x128xi32, #tpu.memory_space<vmem>>
        %dma_wait3A_386 = tpu.memref_squeeze %dma_wait3A_385 : memref<1x128xi32, #tpu.memory_space<vmem>> -> memref<128xi32, #tpu.memory_space<vmem>>
        %dma_wait3A_387 = arith.constant 0 : i32
        %dma_wait3A_388 = arith.constant 0 : i32
        %dma_wait3A_389 = tpu.memref_slice %arg15[%dma_wait3A_387, %dma_wait3A_388] : memref<8208x32xf32, #tpu.memory_space<vmem_shared>> -> memref<8208x32xf32, #tpu.memory_space<vmem_shared>>
        tpu.wait_indirect_dma semaphore(%run_scoped3A_369 : memref<!tpu.dma_semaphore, #tpu.memory_space<semaphore_mem>>) src(%dma_wait3A_383 : memref<128x32xf32, #tpu.memory_space<vmem>>) dst(%dma_wait3A_389 : memref<8208x32xf32, #tpu.memory_space<vmem_shared>>)
        tpu.yield
      }) : () -> ()
      %add3A_327 = arith.constant 4 : i32
      %add3A_328 = arith.addi %add3A_314, %add3A_327 : i32
      %dma_start3A_329 = arith.constant 2 : i32
      %dma_start3A_330 = arith.constant 0 : i32
      %dma_start3A_331 = arith.constant 0 : i32
      %dma_start3A_332 = tpu.memref_slice %arg13[%dma_start3A_329, %dma_start3A_330, %dma_start3A_331] : memref<4x128x32xf32, #tpu.memory_space<vmem>> -> memref<1x128x32xf32, #tpu.memory_space<vmem>>
      %dma_start3A_333 = tpu.memref_squeeze %dma_start3A_332 : memref<1x128x32xf32, #tpu.memory_space<vmem>> -> memref<128x32xf32, #tpu.memory_space<vmem>>
      %dma_start3A_334 = arith.constant 0 : i32
      %dma_start3A_335 = tpu.memref_slice %arg10[%add3A_328, %dma_start3A_334] : memref<80x128xi32, #tpu.memory_space<vmem>> -> memref<1x128xi32, #tpu.memory_space<vmem>>
      %dma_start3A_336 = tpu.memref_squeeze %dma_start3A_335 : memref<1x128xi32, #tpu.memory_space<vmem>> -> memref<128xi32, #tpu.memory_space<vmem>>
      %dma_start3A_337 = arith.constant 0 : i32
      %dma_start3A_338 = arith.constant 0 : i32
      %dma_start3A_339 = tpu.memref_slice %arg4[%dma_start3A_337, %dma_start3A_338] : memref<10000x32xf32, #tpu.memory_space<hbm>> -> memref<10000x32xf32, #tpu.memory_space<hbm>>
      tpu.enqueue_indirect_dma source(%dma_start3A_339 : memref<10000x32xf32, #tpu.memory_space<hbm>>) target(%dma_start3A_333 : memref<128x32xf32, #tpu.memory_space<vmem>>) offsets(%dma_start3A_336 : memref<128xi32, #tpu.memory_space<vmem>>) semaphore(%arg18 : memref<!tpu.dma_semaphore, #tpu.memory_space<semaphore_mem>>)
      %mul3A_340 = arith.constant 4 : i32
      %mul3A_341 = arith.muli %scan3A_252, %mul3A_340 : i32
      %add3A_342 = arith.constant 3 : i32
      %add3A_343 = arith.addi %mul3A_341, %add3A_342 : i32
      %dma_wait3A_344 = arith.constant 3 : i32
      %dma_wait3A_345 = arith.constant 0 : i32
      %dma_wait3A_346 = arith.constant 0 : i32
      %dma_wait3A_347 = tpu.memref_slice %arg13[%dma_wait3A_344, %dma_wait3A_345, %dma_wait3A_346] : memref<4x128x32xf32, #tpu.memory_space<vmem>> -> memref<1x128x32xf32, #tpu.memory_space<vmem>>
      %dma_wait3A_348 = tpu.memref_squeeze %dma_wait3A_347 : memref<1x128x32xf32, #tpu.memory_space<vmem>> -> memref<128x32xf32, #tpu.memory_space<vmem>>
      %dma_wait3A_349 = arith.constant 0 : i32
      %dma_wait3A_350 = tpu.memref_slice %arg10[%add3A_343, %dma_wait3A_349] : memref<80x128xi32, #tpu.memory_space<vmem>> -> memref<1x128xi32, #tpu.memory_space<vmem>>
      %dma_wait3A_351 = tpu.memref_squeeze %dma_wait3A_350 : memref<1x128xi32, #tpu.memory_space<vmem>> -> memref<128xi32, #tpu.memory_space<vmem>>
      %dma_wait3A_352 = arith.constant 0 : i32
      %dma_wait3A_353 = arith.constant 0 : i32
      %dma_wait3A_354 = tpu.memref_slice %arg4[%dma_wait3A_352, %dma_wait3A_353] : memref<10000x32xf32, #tpu.memory_space<hbm>> -> memref<10000x32xf32, #tpu.memory_space<hbm>>
      tpu.wait_indirect_dma semaphore(%arg19 : memref<!tpu.dma_semaphore, #tpu.memory_space<semaphore_mem>>) src(%dma_wait3A_354 : memref<10000x32xf32, #tpu.memory_space<hbm>>) dst(%dma_wait3A_348 : memref<128x32xf32, #tpu.memory_space<vmem>>)
      %run_scoped3A_355 = arith.constant 3 : i32
      "tpu.region"() ({
        %run_scoped3A_369 = tpu.sem_alloc : memref<!tpu.dma_semaphore, #tpu.memory_space<semaphore_mem>>
        %dma_start3A_370 = arith.constant 0 : i32
        %dma_start3A_371 = arith.constant 0 : i32
        %dma_start3A_372 = tpu.memref_slice %arg13[%run_scoped3A_355, %dma_start3A_370, %dma_start3A_371] : memref<4x128x32xf32, #tpu.memory_space<vmem>> -> memref<1x128x32xf32, #tpu.memory_space<vmem>>
        %dma_start3A_373 = tpu.memref_squeeze %dma_start3A_372 : memref<1x128x32xf32, #tpu.memory_space<vmem>> -> memref<128x32xf32, #tpu.memory_space<vmem>>
        %dma_start3A_374 = arith.constant 0 : i32
        %dma_start3A_375 = tpu.memref_slice %arg9[%add3A_343, %dma_start3A_374] : memref<80x128xi32, #tpu.memory_space<vmem>> -> memref<1x128xi32, #tpu.memory_space<vmem>>
        %dma_start3A_376 = tpu.memref_squeeze %dma_start3A_375 : memref<1x128xi32, #tpu.memory_space<vmem>> -> memref<128xi32, #tpu.memory_space<vmem>>
        %dma_start3A_377 = arith.constant 0 : i32
        %dma_start3A_378 = arith.constant 0 : i32
        %dma_start3A_379 = tpu.memref_slice %arg15[%dma_start3A_377, %dma_start3A_378] : memref<8208x32xf32, #tpu.memory_space<vmem_shared>> -> memref<8208x32xf32, #tpu.memory_space<vmem_shared>>
        tpu.enqueue_indirect_dma source(%dma_start3A_373 : memref<128x32xf32, #tpu.memory_space<vmem>>) target(%dma_start3A_379 : memref<8208x32xf32, #tpu.memory_space<vmem_shared>>) offsets(%dma_start3A_376 : memref<128xi32, #tpu.memory_space<vmem>>) semaphore(%run_scoped3A_369 : memref<!tpu.dma_semaphore, #tpu.memory_space<semaphore_mem>>) {add = true}
        %dma_wait3A_380 = arith.constant 0 : i32
        %dma_wait3A_381 = arith.constant 0 : i32
        %dma_wait3A_382 = tpu.memref_slice %arg13[%run_scoped3A_355, %dma_wait3A_380, %dma_wait3A_381] : memref<4x128x32xf32, #tpu.memory_space<vmem>> -> memref<1x128x32xf32, #tpu.memory_space<vmem>>
        %dma_wait3A_383 = tpu.memref_squeeze %dma_wait3A_382 : memref<1x128x32xf32, #tpu.memory_space<vmem>> -> memref<128x32xf32, #tpu.memory_space<vmem>>
        %dma_wait3A_384 = arith.constant 0 : i32
        %dma_wait3A_385 = tpu.memref_slice %arg9[%add3A_343, %dma_wait3A_384] : memref<80x128xi32, #tpu.memory_space<vmem>> -> memref<1x128xi32, #tpu.memory_space<vmem>>
        %dma_wait3A_386 = tpu.memref_squeeze %dma_wait3A_385 : memref<1x128xi32, #tpu.memory_space<vmem>> -> memref<128xi32, #tpu.memory_space<vmem>>
        %dma_wait3A_387 = arith.constant 0 : i32
        %dma_wait3A_388 = arith.constant 0 : i32
        %dma_wait3A_389 = tpu.memref_slice %arg15[%dma_wait3A_387, %dma_wait3A_388] : memref<8208x32xf32, #tpu.memory_space<vmem_shared>> -> memref<8208x32xf32, #tpu.memory_space<vmem_shared>>
        tpu.wait_indirect_dma semaphore(%run_scoped3A_369 : memref<!tpu.dma_semaphore, #tpu.memory_space<semaphore_mem>>) src(%dma_wait3A_383 : memref<128x32xf32, #tpu.memory_space<vmem>>) dst(%dma_wait3A_389 : memref<8208x32xf32, #tpu.memory_space<vmem_shared>>)
        tpu.yield
      }) : () -> ()
      %add3A_356 = arith.constant 4 : i32
      %add3A_357 = arith.addi %add3A_343, %add3A_356 : i32
      %dma_start3A_358 = arith.constant 3 : i32
      %dma_start3A_359 = arith.constant 0 : i32
      %dma_start3A_360 = arith.constant 0 : i32
      %dma_start3A_361 = tpu.memref_slice %arg13[%dma_start3A_358, %dma_start3A_359, %dma_start3A_360] : memref<4x128x32xf32, #tpu.memory_space<vmem>> -> memref<1x128x32xf32, #tpu.memory_space<vmem>>
      %dma_start3A_362 = tpu.memref_squeeze %dma_start3A_361 : memref<1x128x32xf32, #tpu.memory_space<vmem>> -> memref<128x32xf32, #tpu.memory_space<vmem>>
      %dma_start3A_363 = arith.constant 0 : i32
      %dma_start3A_364 = tpu.memref_slice %arg10[%add3A_357, %dma_start3A_363] : memref<80x128xi32, #tpu.memory_space<vmem>> -> memref<1x128xi32, #tpu.memory_space<vmem>>
      %dma_start3A_365 = tpu.memref_squeeze %dma_start3A_364 : memref<1x128xi32, #tpu.memory_space<vmem>> -> memref<128xi32, #tpu.memory_space<vmem>>
      %dma_start3A_366 = arith.constant 0 : i32
      %dma_start3A_367 = arith.constant 0 : i32
      %dma_start3A_368 = tpu.memref_slice %arg4[%dma_start3A_366, %dma_start3A_367] : memref<10000x32xf32, #tpu.memory_space<hbm>> -> memref<10000x32xf32, #tpu.memory_space<hbm>>
      tpu.enqueue_indirect_dma source(%dma_start3A_368 : memref<10000x32xf32, #tpu.memory_space<hbm>>) target(%dma_start3A_362 : memref<128x32xf32, #tpu.memory_space<vmem>>) offsets(%dma_start3A_365 : memref<128xi32, #tpu.memory_space<vmem>>) semaphore(%arg19 : memref<!tpu.dma_semaphore, #tpu.memory_space<semaphore_mem>>)
    }
    %scan3A_125 = arith.constant 19 : i32
    %dma_wait3A = arith.constant 76 : i32
    %dma_wait3A_126 = arith.constant 0 : i32
    %dma_wait3A_127 = arith.constant 0 : i32
    %dma_wait3A_128 = arith.constant 0 : i32
    %dma_wait3A_129 = tpu.memref_slice %arg13[%dma_wait3A_126, %dma_wait3A_127, %dma_wait3A_128] : memref<4x128x32xf32, #tpu.memory_space<vmem>> -> memref<1x128x32xf32, #tpu.memory_space<vmem>>
    %dma_wait3A_130 = tpu.memref_squeeze %dma_wait3A_129 : memref<1x128x32xf32, #tpu.memory_space<vmem>> -> memref<128x32xf32, #tpu.memory_space<vmem>>
    %dma_wait3A_131 = arith.constant 0 : i32
    %dma_wait3A_132 = tpu.memref_slice %arg10[%dma_wait3A, %dma_wait3A_131] : memref<80x128xi32, #tpu.memory_space<vmem>> -> memref<1x128xi32, #tpu.memory_space<vmem>>
    %dma_wait3A_133 = tpu.memref_squeeze %dma_wait3A_132 : memref<1x128xi32, #tpu.memory_space<vmem>> -> memref<128xi32, #tpu.memory_space<vmem>>
    %dma_wait3A_134 = arith.constant 0 : i32
    %dma_wait3A_135 = arith.constant 0 : i32
    %dma_wait3A_136 = tpu.memref_slice %arg4[%dma_wait3A_134, %dma_wait3A_135] : memref<10000x32xf32, #tpu.memory_space<hbm>> -> memref<10000x32xf32, #tpu.memory_space<hbm>>
    tpu.wait_indirect_dma semaphore(%arg16 : memref<!tpu.dma_semaphore, #tpu.memory_space<semaphore_mem>>) src(%dma_wait3A_136 : memref<10000x32xf32, #tpu.memory_space<hbm>>) dst(%dma_wait3A_130 : memref<128x32xf32, #tpu.memory_space<vmem>>)
    %run_scoped3A = arith.constant 0 : i32
    %run_scoped3A_137 = arith.constant 76 : i32
    "tpu.region"() ({
      %run_scoped3A_252 = tpu.sem_alloc : memref<!tpu.dma_semaphore, #tpu.memory_space<semaphore_mem>>
      %dma_start3A_253 = arith.constant 0 : i32
      %dma_start3A_254 = arith.constant 0 : i32
      %dma_start3A_255 = tpu.memref_slice %arg13[%run_scoped3A, %dma_start3A_253, %dma_start3A_254] : memref<4x128x32xf32, #tpu.memory_space<vmem>> -> memref<1x128x32xf32, #tpu.memory_space<vmem>>
      %dma_start3A_256 = tpu.memref_squeeze %dma_start3A_255 : memref<1x128x32xf32, #tpu.memory_space<vmem>> -> memref<128x32xf32, #tpu.memory_space<vmem>>
      %dma_start3A_257 = arith.constant 0 : i32
      %dma_start3A_258 = tpu.memref_slice %arg9[%run_scoped3A_137, %dma_start3A_257] : memref<80x128xi32, #tpu.memory_space<vmem>> -> memref<1x128xi32, #tpu.memory_space<vmem>>
      %dma_start3A_259 = tpu.memref_squeeze %dma_start3A_258 : memref<1x128xi32, #tpu.memory_space<vmem>> -> memref<128xi32, #tpu.memory_space<vmem>>
      %dma_start3A_260 = arith.constant 0 : i32
      %dma_start3A_261 = arith.constant 0 : i32
      %dma_start3A_262 = tpu.memref_slice %arg15[%dma_start3A_260, %dma_start3A_261] : memref<8208x32xf32, #tpu.memory_space<vmem_shared>> -> memref<8208x32xf32, #tpu.memory_space<vmem_shared>>
      tpu.enqueue_indirect_dma source(%dma_start3A_256 : memref<128x32xf32, #tpu.memory_space<vmem>>) target(%dma_start3A_262 : memref<8208x32xf32, #tpu.memory_space<vmem_shared>>) offsets(%dma_start3A_259 : memref<128xi32, #tpu.memory_space<vmem>>) semaphore(%run_scoped3A_252 : memref<!tpu.dma_semaphore, #tpu.memory_space<semaphore_mem>>) {add = true}
      %dma_wait3A_263 = arith.constant 0 : i32
      %dma_wait3A_264 = arith.constant 0 : i32
      %dma_wait3A_265 = tpu.memref_slice %arg13[%run_scoped3A, %dma_wait3A_263, %dma_wait3A_264] : memref<4x128x32xf32, #tpu.memory_space<vmem>> -> memref<1x128x32xf32, #tpu.memory_space<vmem>>
      %dma_wait3A_266 = tpu.memref_squeeze %dma_wait3A_265 : memref<1x128x32xf32, #tpu.memory_space<vmem>> -> memref<128x32xf32, #tpu.memory_space<vmem>>
      %dma_wait3A_267 = arith.constant 0 : i32
      %dma_wait3A_268 = tpu.memref_slice %arg9[%run_scoped3A_137, %dma_wait3A_267] : memref<80x128xi32, #tpu.memory_space<vmem>> -> memref<1x128xi32, #tpu.memory_space<vmem>>
      %dma_wait3A_269 = tpu.memref_squeeze %dma_wait3A_268 : memref<1x128xi32, #tpu.memory_space<vmem>> -> memref<128xi32, #tpu.memory_space<vmem>>
      %dma_wait3A_270 = arith.constant 0 : i32
      %dma_wait3A_271 = arith.constant 0 : i32
      %dma_wait3A_272 = tpu.memref_slice %arg15[%dma_wait3A_270, %dma_wait3A_271] : memref<8208x32xf32, #tpu.memory_space<vmem_shared>> -> memref<8208x32xf32, #tpu.memory_space<vmem_shared>>
      tpu.wait_indirect_dma semaphore(%run_scoped3A_252 : memref<!tpu.dma_semaphore, #tpu.memory_space<semaphore_mem>>) src(%dma_wait3A_266 : memref<128x32xf32, #tpu.memory_space<vmem>>) dst(%dma_wait3A_272 : memref<8208x32xf32, #tpu.memory_space<vmem_shared>>)
      tpu.yield
    }) : () -> ()
    %dma_wait3A_138 = arith.constant 77 : i32
    %dma_wait3A_139 = arith.constant 1 : i32
    %dma_wait3A_140 = arith.constant 0 : i32
    %dma_wait3A_141 = arith.constant 0 : i32
    %dma_wait3A_142 = tpu.memref_slice %arg13[%dma_wait3A_139, %dma_wait3A_140, %dma_wait3A_141] : memref<4x128x32xf32, #tpu.memory_space<vmem>> -> memref<1x128x32xf32, #tpu.memory_space<vmem>>
    %dma_wait3A_143 = tpu.memref_squeeze %dma_wait3A_142 : memref<1x128x32xf32, #tpu.memory_space<vmem>> -> memref<128x32xf32, #tpu.memory_space<vmem>>
    %dma_wait3A_144 = arith.constant 0 : i32
    %dma_wait3A_145 = tpu.memref_slice %arg10[%dma_wait3A_138, %dma_wait3A_144] : memref<80x128xi32, #tpu.memory_space<vmem>> -> memref<1x128xi32, #tpu.memory_space<vmem>>
    %dma_wait3A_146 = tpu.memref_squeeze %dma_wait3A_145 : memref<1x128xi32, #tpu.memory_space<vmem>> -> memref<128xi32, #tpu.memory_space<vmem>>
    %dma_wait3A_147 = arith.constant 0 : i32
    %dma_wait3A_148 = arith.constant 0 : i32
    %dma_wait3A_149 = tpu.memref_slice %arg4[%dma_wait3A_147, %dma_wait3A_148] : memref<10000x32xf32, #tpu.memory_space<hbm>> -> memref<10000x32xf32, #tpu.memory_space<hbm>>
    tpu.wait_indirect_dma semaphore(%arg17 : memref<!tpu.dma_semaphore, #tpu.memory_space<semaphore_mem>>) src(%dma_wait3A_149 : memref<10000x32xf32, #tpu.memory_space<hbm>>) dst(%dma_wait3A_143 : memref<128x32xf32, #tpu.memory_space<vmem>>)
    %run_scoped3A_150 = arith.constant 1 : i32
    %run_scoped3A_151 = arith.constant 77 : i32
    "tpu.region"() ({
      %run_scoped3A_252 = tpu.sem_alloc : memref<!tpu.dma_semaphore, #tpu.memory_space<semaphore_mem>>
      %dma_start3A_253 = arith.constant 0 : i32
      %dma_start3A_254 = arith.constant 0 : i32
      %dma_start3A_255 = tpu.memref_slice %arg13[%run_scoped3A_150, %dma_start3A_253, %dma_start3A_254] : memref<4x128x32xf32, #tpu.memory_space<vmem>> -> memref<1x128x32xf32, #tpu.memory_space<vmem>>
      %dma_start3A_256 = tpu.memref_squeeze %dma_start3A_255 : memref<1x128x32xf32, #tpu.memory_space<vmem>> -> memref<128x32xf32, #tpu.memory_space<vmem>>
      %dma_start3A_257 = arith.constant 0 : i32
      %dma_start3A_258 = tpu.memref_slice %arg9[%run_scoped3A_151, %dma_start3A_257] : memref<80x128xi32, #tpu.memory_space<vmem>> -> memref<1x128xi32, #tpu.memory_space<vmem>>
      %dma_start3A_259 = tpu.memref_squeeze %dma_start3A_258 : memref<1x128xi32, #tpu.memory_space<vmem>> -> memref<128xi32, #tpu.memory_space<vmem>>
      %dma_start3A_260 = arith.constant 0 : i32
      %dma_start3A_261 = arith.constant 0 : i32
      %dma_start3A_262 = tpu.memref_slice %arg15[%dma_start3A_260, %dma_start3A_261] : memref<8208x32xf32, #tpu.memory_space<vmem_shared>> -> memref<8208x32xf32, #tpu.memory_space<vmem_shared>>
      tpu.enqueue_indirect_dma source(%dma_start3A_256 : memref<128x32xf32, #tpu.memory_space<vmem>>) target(%dma_start3A_262 : memref<8208x32xf32, #tpu.memory_space<vmem_shared>>) offsets(%dma_start3A_259 : memref<128xi32, #tpu.memory_space<vmem>>) semaphore(%run_scoped3A_252 : memref<!tpu.dma_semaphore, #tpu.memory_space<semaphore_mem>>) {add = true}
      %dma_wait3A_263 = arith.constant 0 : i32
      %dma_wait3A_264 = arith.constant 0 : i32
      %dma_wait3A_265 = tpu.memref_slice %arg13[%run_scoped3A_150, %dma_wait3A_263, %dma_wait3A_264] : memref<4x128x32xf32, #tpu.memory_space<vmem>> -> memref<1x128x32xf32, #tpu.memory_space<vmem>>
      %dma_wait3A_266 = tpu.memref_squeeze %dma_wait3A_265 : memref<1x128x32xf32, #tpu.memory_space<vmem>> -> memref<128x32xf32, #tpu.memory_space<vmem>>
      %dma_wait3A_267 = arith.constant 0 : i32
      %dma_wait3A_268 = tpu.memref_slice %arg9[%run_scoped3A_151, %dma_wait3A_267] : memref<80x128xi32, #tpu.memory_space<vmem>> -> memref<1x128xi32, #tpu.memory_space<vmem>>
      %dma_wait3A_269 = tpu.memref_squeeze %dma_wait3A_268 : memref<1x128xi32, #tpu.memory_space<vmem>> -> memref<128xi32, #tpu.memory_space<vmem>>
      %dma_wait3A_270 = arith.constant 0 : i32
      %dma_wait3A_271 = arith.constant 0 : i32
      %dma_wait3A_272 = tpu.memref_slice %arg15[%dma_wait3A_270, %dma_wait3A_271] : memref<8208x32xf32, #tpu.memory_space<vmem_shared>> -> memref<8208x32xf32, #tpu.memory_space<vmem_shared>>
      tpu.wait_indirect_dma semaphore(%run_scoped3A_252 : memref<!tpu.dma_semaphore, #tpu.memory_space<semaphore_mem>>) src(%dma_wait3A_266 : memref<128x32xf32, #tpu.memory_space<vmem>>) dst(%dma_wait3A_272 : memref<8208x32xf32, #tpu.memory_space<vmem_shared>>)
      tpu.yield
    }) : () -> ()
    %dma_wait3A_152 = arith.constant 78 : i32
    %dma_wait3A_153 = arith.constant 2 : i32
    %dma_wait3A_154 = arith.constant 0 : i32
    %dma_wait3A_155 = arith.constant 0 : i32
    %dma_wait3A_156 = tpu.memref_slice %arg13[%dma_wait3A_153, %dma_wait3A_154, %dma_wait3A_155] : memref<4x128x32xf32, #tpu.memory_space<vmem>> -> memref<1x128x32xf32, #tpu.memory_space<vmem>>
    %dma_wait3A_157 = tpu.memref_squeeze %dma_wait3A_156 : memref<1x128x32xf32, #tpu.memory_space<vmem>> -> memref<128x32xf32, #tpu.memory_space<vmem>>
    %dma_wait3A_158 = arith.constant 0 : i32
    %dma_wait3A_159 = tpu.memref_slice %arg10[%dma_wait3A_152, %dma_wait3A_158] : memref<80x128xi32, #tpu.memory_space<vmem>> -> memref<1x128xi32, #tpu.memory_space<vmem>>
    %dma_wait3A_160 = tpu.memref_squeeze %dma_wait3A_159 : memref<1x128xi32, #tpu.memory_space<vmem>> -> memref<128xi32, #tpu.memory_space<vmem>>
    %dma_wait3A_161 = arith.constant 0 : i32
    %dma_wait3A_162 = arith.constant 0 : i32
    %dma_wait3A_163 = tpu.memref_slice %arg4[%dma_wait3A_161, %dma_wait3A_162] : memref<10000x32xf32, #tpu.memory_space<hbm>> -> memref<10000x32xf32, #tpu.memory_space<hbm>>
    tpu.wait_indirect_dma semaphore(%arg18 : memref<!tpu.dma_semaphore, #tpu.memory_space<semaphore_mem>>) src(%dma_wait3A_163 : memref<10000x32xf32, #tpu.memory_space<hbm>>) dst(%dma_wait3A_157 : memref<128x32xf32, #tpu.memory_space<vmem>>)
    %run_scoped3A_164 = arith.constant 2 : i32
    %run_scoped3A_165 = arith.constant 78 : i32
    "tpu.region"() ({
      %run_scoped3A_252 = tpu.sem_alloc : memref<!tpu.dma_semaphore, #tpu.memory_space<semaphore_mem>>
      %dma_start3A_253 = arith.constant 0 : i32
      %dma_start3A_254 = arith.constant 0 : i32
      %dma_start3A_255 = tpu.memref_slice %arg13[%run_scoped3A_164, %dma_start3A_253, %dma_start3A_254] : memref<4x128x32xf32, #tpu.memory_space<vmem>> -> memref<1x128x32xf32, #tpu.memory_space<vmem>>
      %dma_start3A_256 = tpu.memref_squeeze %dma_start3A_255 : memref<1x128x32xf32, #tpu.memory_space<vmem>> -> memref<128x32xf32, #tpu.memory_space<vmem>>
      %dma_start3A_257 = arith.constant 0 : i32
      %dma_start3A_258 = tpu.memref_slice %arg9[%run_scoped3A_165, %dma_start3A_257] : memref<80x128xi32, #tpu.memory_space<vmem>> -> memref<1x128xi32, #tpu.memory_space<vmem>>
      %dma_start3A_259 = tpu.memref_squeeze %dma_start3A_258 : memref<1x128xi32, #tpu.memory_space<vmem>> -> memref<128xi32, #tpu.memory_space<vmem>>
      %dma_start3A_260 = arith.constant 0 : i32
      %dma_start3A_261 = arith.constant 0 : i32
      %dma_start3A_262 = tpu.memref_slice %arg15[%dma_start3A_260, %dma_start3A_261] : memref<8208x32xf32, #tpu.memory_space<vmem_shared>> -> memref<8208x32xf32, #tpu.memory_space<vmem_shared>>
      tpu.enqueue_indirect_dma source(%dma_start3A_256 : memref<128x32xf32, #tpu.memory_space<vmem>>) target(%dma_start3A_262 : memref<8208x32xf32, #tpu.memory_space<vmem_shared>>) offsets(%dma_start3A_259 : memref<128xi32, #tpu.memory_space<vmem>>) semaphore(%run_scoped3A_252 : memref<!tpu.dma_semaphore, #tpu.memory_space<semaphore_mem>>) {add = true}
      %dma_wait3A_263 = arith.constant 0 : i32
      %dma_wait3A_264 = arith.constant 0 : i32
      %dma_wait3A_265 = tpu.memref_slice %arg13[%run_scoped3A_164, %dma_wait3A_263, %dma_wait3A_264] : memref<4x128x32xf32, #tpu.memory_space<vmem>> -> memref<1x128x32xf32, #tpu.memory_space<vmem>>
      %dma_wait3A_266 = tpu.memref_squeeze %dma_wait3A_265 : memref<1x128x32xf32, #tpu.memory_space<vmem>> -> memref<128x32xf32, #tpu.memory_space<vmem>>
      %dma_wait3A_267 = arith.constant 0 : i32
      %dma_wait3A_268 = tpu.memref_slice %arg9[%run_scoped3A_165, %dma_wait3A_267] : memref<80x128xi32, #tpu.memory_space<vmem>> -> memref<1x128xi32, #tpu.memory_space<vmem>>
      %dma_wait3A_269 = tpu.memref_squeeze %dma_wait3A_268 : memref<1x128xi32, #tpu.memory_space<vmem>> -> memref<128xi32, #tpu.memory_space<vmem>>
      %dma_wait3A_270 = arith.constant 0 : i32
      %dma_wait3A_271 = arith.constant 0 : i32
      %dma_wait3A_272 = tpu.memref_slice %arg15[%dma_wait3A_270, %dma_wait3A_271] : memref<8208x32xf32, #tpu.memory_space<vmem_shared>> -> memref<8208x32xf32, #tpu.memory_space<vmem_shared>>
      tpu.wait_indirect_dma semaphore(%run_scoped3A_252 : memref<!tpu.dma_semaphore, #tpu.memory_space<semaphore_mem>>) src(%dma_wait3A_266 : memref<128x32xf32, #tpu.memory_space<vmem>>) dst(%dma_wait3A_272 : memref<8208x32xf32, #tpu.memory_space<vmem_shared>>)
      tpu.yield
    }) : () -> ()
    %dma_wait3A_166 = arith.constant 79 : i32
    %dma_wait3A_167 = arith.constant 3 : i32
    %dma_wait3A_168 = arith.constant 0 : i32
    %dma_wait3A_169 = arith.constant 0 : i32
    %dma_wait3A_170 = tpu.memref_slice %arg13[%dma_wait3A_167, %dma_wait3A_168, %dma_wait3A_169] : memref<4x128x32xf32, #tpu.memory_space<vmem>> -> memref<1x128x32xf32, #tpu.memory_space<vmem>>
    %dma_wait3A_171 = tpu.memref_squeeze %dma_wait3A_170 : memref<1x128x32xf32, #tpu.memory_space<vmem>> -> memref<128x32xf32, #tpu.memory_space<vmem>>
    %dma_wait3A_172 = arith.constant 0 : i32
    %dma_wait3A_173 = tpu.memref_slice %arg10[%dma_wait3A_166, %dma_wait3A_172] : memref<80x128xi32, #tpu.memory_space<vmem>> -> memref<1x128xi32, #tpu.memory_space<vmem>>
    %dma_wait3A_174 = tpu.memref_squeeze %dma_wait3A_173 : memref<1x128xi32, #tpu.memory_space<vmem>> -> memref<128xi32, #tpu.memory_space<vmem>>
    %dma_wait3A_175 = arith.constant 0 : i32
    %dma_wait3A_176 = arith.constant 0 : i32
    %dma_wait3A_177 = tpu.memref_slice %arg4[%dma_wait3A_175, %dma_wait3A_176] : memref<10000x32xf32, #tpu.memory_space<hbm>> -> memref<10000x32xf32, #tpu.memory_space<hbm>>
    tpu.wait_indirect_dma semaphore(%arg19 : memref<!tpu.dma_semaphore, #tpu.memory_space<semaphore_mem>>) src(%dma_wait3A_177 : memref<10000x32xf32, #tpu.memory_space<hbm>>) dst(%dma_wait3A_171 : memref<128x32xf32, #tpu.memory_space<vmem>>)
    %run_scoped3A_178 = arith.constant 3 : i32
    %run_scoped3A_179 = arith.constant 79 : i32
    "tpu.region"() ({
      %run_scoped3A_252 = tpu.sem_alloc : memref<!tpu.dma_semaphore, #tpu.memory_space<semaphore_mem>>
      %dma_start3A_253 = arith.constant 0 : i32
      %dma_start3A_254 = arith.constant 0 : i32
      %dma_start3A_255 = tpu.memref_slice %arg13[%run_scoped3A_178, %dma_start3A_253, %dma_start3A_254] : memref<4x128x32xf32, #tpu.memory_space<vmem>> -> memref<1x128x32xf32, #tpu.memory_space<vmem>>
      %dma_start3A_256 = tpu.memref_squeeze %dma_start3A_255 : memref<1x128x32xf32, #tpu.memory_space<vmem>> -> memref<128x32xf32, #tpu.memory_space<vmem>>
      %dma_start3A_257 = arith.constant 0 : i32
      %dma_start3A_258 = tpu.memref_slice %arg9[%run_scoped3A_179, %dma_start3A_257] : memref<80x128xi32, #tpu.memory_space<vmem>> -> memref<1x128xi32, #tpu.memory_space<vmem>>
      %dma_start3A_259 = tpu.memref_squeeze %dma_start3A_258 : memref<1x128xi32, #tpu.memory_space<vmem>> -> memref<128xi32, #tpu.memory_space<vmem>>
      %dma_start3A_260 = arith.constant 0 : i32
      %dma_start3A_261 = arith.constant 0 : i32
      %dma_start3A_262 = tpu.memref_slice %arg15[%dma_start3A_260, %dma_start3A_261] : memref<8208x32xf32, #tpu.memory_space<vmem_shared>> -> memref<8208x32xf32, #tpu.memory_space<vmem_shared>>
      tpu.enqueue_indirect_dma source(%dma_start3A_256 : memref<128x32xf32, #tpu.memory_space<vmem>>) target(%dma_start3A_262 : memref<8208x32xf32, #tpu.memory_space<vmem_shared>>) offsets(%dma_start3A_259 : memref<128xi32, #tpu.memory_space<vmem>>) semaphore(%run_scoped3A_252 : memref<!tpu.dma_semaphore, #tpu.memory_space<semaphore_mem>>) {add = true}
      %dma_wait3A_263 = arith.constant 0 : i32
      %dma_wait3A_264 = arith.constant 0 : i32
      %dma_wait3A_265 = tpu.memref_slice %arg13[%run_scoped3A_178, %dma_wait3A_263, %dma_wait3A_264] : memref<4x128x32xf32, #tpu.memory_space<vmem>> -> memref<1x128x32xf32, #tpu.memory_space<vmem>>
      %dma_wait3A_266 = tpu.memref_squeeze %dma_wait3A_265 : memref<1x128x32xf32, #tpu.memory_space<vmem>> -> memref<128x32xf32, #tpu.memory_space<vmem>>
      %dma_wait3A_267 = arith.constant 0 : i32
      %dma_wait3A_268 = tpu.memref_slice %arg9[%run_scoped3A_179, %dma_wait3A_267] : memref<80x128xi32, #tpu.memory_space<vmem>> -> memref<1x128xi32, #tpu.memory_space<vmem>>
      %dma_wait3A_269 = tpu.memref_squeeze %dma_wait3A_268 : memref<1x128xi32, #tpu.memory_space<vmem>> -> memref<128xi32, #tpu.memory_space<vmem>>
      %dma_wait3A_270 = arith.constant 0 : i32
      %dma_wait3A_271 = arith.constant 0 : i32
      %dma_wait3A_272 = tpu.memref_slice %arg15[%dma_wait3A_270, %dma_wait3A_271] : memref<8208x32xf32, #tpu.memory_space<vmem_shared>> -> memref<8208x32xf32, #tpu.memory_space<vmem_shared>>
      tpu.wait_indirect_dma semaphore(%run_scoped3A_252 : memref<!tpu.dma_semaphore, #tpu.memory_space<semaphore_mem>>) src(%dma_wait3A_266 : memref<128x32xf32, #tpu.memory_space<vmem>>) dst(%dma_wait3A_272 : memref<8208x32xf32, #tpu.memory_space<vmem_shared>>)
      tpu.yield
    }) : () -> ()
    %mul3A_180 = arith.constant 512 : i32
    %mul3A_181 = arith.muli %arg1, %mul3A_180 : i32
    %mul3A_182 = arith.constant 512 : i32
    %mul3A_183 = arith.muli %add3A, %mul3A_182 : i32
    "tpu.region"() ({
      %run_scoped3A_252 = tpu.sem_alloc : memref<!tpu.dma_semaphore, #tpu.memory_space<semaphore_mem>>
      %dma_start3A_253 = arith.constant 0 : i32
      %dma_start3A_254 = tpu.memref_slice %arg8[%mul3A_183, %dma_start3A_253] : memref<16384x32xf32, #tpu.memory_space<hbm>> -> memref<512x32xf32, #tpu.memory_space<hbm>>
      %dma_start3A_255 = arith.constant 0 : i32
      %dma_start3A_256 = tpu.memref_slice %arg15[%mul3A_181, %dma_start3A_255] : memref<8208x32xf32, #tpu.memory_space<vmem_shared>> -> memref<512x32xf32, #tpu.memory_space<vmem_shared>>
      tpu.enqueue_dma source(%dma_start3A_256 : memref<512x32xf32, #tpu.memory_space<vmem_shared>>) target(%dma_start3A_254 : memref<512x32xf32, #tpu.memory_space<hbm>>) target_semaphore(%run_scoped3A_252 : memref<!tpu.dma_semaphore, #tpu.memory_space<semaphore_mem>>)
      %dma_wait3A_257 = arith.constant 0 : i32
      %dma_wait3A_258 = tpu.memref_slice %arg8[%mul3A_183, %dma_wait3A_257] : memref<16384x32xf32, #tpu.memory_space<hbm>> -> memref<512x32xf32, #tpu.memory_space<hbm>>
      %dma_wait3A_259 = arith.constant 0 : i32
      %dma_wait3A_260 = tpu.memref_slice %arg15[%mul3A_181, %dma_wait3A_259] : memref<8208x32xf32, #tpu.memory_space<vmem_shared>> -> memref<512x32xf32, #tpu.memory_space<vmem_shared>>
      tpu.wait_dma2 semaphore(%run_scoped3A_252 : memref<!tpu.dma_semaphore, #tpu.memory_space<semaphore_mem>>) src(%dma_wait3A_260 : memref<512x32xf32, #tpu.memory_space<vmem_shared>>) dst(%dma_wait3A_258 : memref<512x32xf32, #tpu.memory_space<hbm>>)
      tpu.yield
    }) : () -> ()
    %dma_wait3A_184 = arith.constant 0 : i32
    %dma_wait3A_185 = arith.constant 0 : i32
    %dma_wait3A_186 = arith.constant 0 : i32
    %dma_wait3A_187 = arith.constant 0 : i32
    %dma_wait3A_188 = tpu.memref_slice %arg14[%dma_wait3A_185, %dma_wait3A_186, %dma_wait3A_187] : memref<4x128x32xf32, #tpu.memory_space<vmem>> -> memref<1x128x32xf32, #tpu.memory_space<vmem>>
    %dma_wait3A_189 = tpu.memref_squeeze %dma_wait3A_188 : memref<1x128x32xf32, #tpu.memory_space<vmem>> -> memref<128x32xf32, #tpu.memory_space<vmem>>
    %dma_wait3A_190 = arith.constant 0 : i32
    %dma_wait3A_191 = tpu.memref_slice %arg11[%dma_wait3A_184, %dma_wait3A_190] : memref<4x128xi32, #tpu.memory_space<vmem>> -> memref<1x128xi32, #tpu.memory_space<vmem>>
    %dma_wait3A_192 = tpu.memref_squeeze %dma_wait3A_191 : memref<1x128xi32, #tpu.memory_space<vmem>> -> memref<128xi32, #tpu.memory_space<vmem>>
    %dma_wait3A_193 = arith.constant 0 : i32
    %dma_wait3A_194 = arith.constant 0 : i32
    %dma_wait3A_195 = tpu.memref_slice %arg2[%dma_wait3A_193, %dma_wait3A_194] : memref<100001x32xf32, #tpu.memory_space<hbm>> -> memref<100001x32xf32, #tpu.memory_space<hbm>>
    tpu.wait_indirect_dma semaphore(%arg20 : memref<!tpu.dma_semaphore, #tpu.memory_space<semaphore_mem>>) src(%dma_wait3A_195 : memref<100001x32xf32, #tpu.memory_space<hbm>>) dst(%dma_wait3A_189 : memref<128x32xf32, #tpu.memory_space<vmem>>)
    %dma_wait3A_196 = arith.constant 1 : i32
    %dma_wait3A_197 = arith.constant 1 : i32
    %dma_wait3A_198 = arith.constant 0 : i32
    %dma_wait3A_199 = arith.constant 0 : i32
    %dma_wait3A_200 = tpu.memref_slice %arg14[%dma_wait3A_197, %dma_wait3A_198, %dma_wait3A_199] : memref<4x128x32xf32, #tpu.memory_space<vmem>> -> memref<1x128x32xf32, #tpu.memory_space<vmem>>
    %dma_wait3A_201 = tpu.memref_squeeze %dma_wait3A_200 : memref<1x128x32xf32, #tpu.memory_space<vmem>> -> memref<128x32xf32, #tpu.memory_space<vmem>>
    %dma_wait3A_202 = arith.constant 0 : i32
    %dma_wait3A_203 = tpu.memref_slice %arg11[%dma_wait3A_196, %dma_wait3A_202] : memref<4x128xi32, #tpu.memory_space<vmem>> -> memref<1x128xi32, #tpu.memory_space<vmem>>
    %dma_wait3A_204 = tpu.memref_squeeze %dma_wait3A_203 : memref<1x128xi32, #tpu.memory_space<vmem>> -> memref<128xi32, #tpu.memory_space<vmem>>
    %dma_wait3A_205 = arith.constant 0 : i32
    %dma_wait3A_206 = arith.constant 0 : i32
    %dma_wait3A_207 = tpu.memref_slice %arg2[%dma_wait3A_205, %dma_wait3A_206] : memref<100001x32xf32, #tpu.memory_space<hbm>> -> memref<100001x32xf32, #tpu.memory_space<hbm>>
    tpu.wait_indirect_dma semaphore(%arg20 : memref<!tpu.dma_semaphore, #tpu.memory_space<semaphore_mem>>) src(%dma_wait3A_207 : memref<100001x32xf32, #tpu.memory_space<hbm>>) dst(%dma_wait3A_201 : memref<128x32xf32, #tpu.memory_space<vmem>>)
    %dma_wait3A_208 = arith.constant 2 : i32
    %dma_wait3A_209 = arith.constant 2 : i32
    %dma_wait3A_210 = arith.constant 0 : i32
    %dma_wait3A_211 = arith.constant 0 : i32
    %dma_wait3A_212 = tpu.memref_slice %arg14[%dma_wait3A_209, %dma_wait3A_210, %dma_wait3A_211] : memref<4x128x32xf32, #tpu.memory_space<vmem>> -> memref<1x128x32xf32, #tpu.memory_space<vmem>>
    %dma_wait3A_213 = tpu.memref_squeeze %dma_wait3A_212 : memref<1x128x32xf32, #tpu.memory_space<vmem>> -> memref<128x32xf32, #tpu.memory_space<vmem>>
    %dma_wait3A_214 = arith.constant 0 : i32
    %dma_wait3A_215 = tpu.memref_slice %arg11[%dma_wait3A_208, %dma_wait3A_214] : memref<4x128xi32, #tpu.memory_space<vmem>> -> memref<1x128xi32, #tpu.memory_space<vmem>>
    %dma_wait3A_216 = tpu.memref_squeeze %dma_wait3A_215 : memref<1x128xi32, #tpu.memory_space<vmem>> -> memref<128xi32, #tpu.memory_space<vmem>>
    %dma_wait3A_217 = arith.constant 0 : i32
    %dma_wait3A_218 = arith.constant 0 : i32
    %dma_wait3A_219 = tpu.memref_slice %arg2[%dma_wait3A_217, %dma_wait3A_218] : memref<100001x32xf32, #tpu.memory_space<hbm>> -> memref<100001x32xf32, #tpu.memory_space<hbm>>
    tpu.wait_indirect_dma semaphore(%arg20 : memref<!tpu.dma_semaphore, #tpu.memory_space<semaphore_mem>>) src(%dma_wait3A_219 : memref<100001x32xf32, #tpu.memory_space<hbm>>) dst(%dma_wait3A_213 : memref<128x32xf32, #tpu.memory_space<vmem>>)
    %dma_wait3A_220 = arith.constant 3 : i32
    %dma_wait3A_221 = arith.constant 3 : i32
    %dma_wait3A_222 = arith.constant 0 : i32
    %dma_wait3A_223 = arith.constant 0 : i32
    %dma_wait3A_224 = tpu.memref_slice %arg14[%dma_wait3A_221, %dma_wait3A_222, %dma_wait3A_223] : memref<4x128x32xf32, #tpu.memory_space<vmem>> -> memref<1x128x32xf32, #tpu.memory_space<vmem>>
    %dma_wait3A_225 = tpu.memref_squeeze %dma_wait3A_224 : memref<1x128x32xf32, #tpu.memory_space<vmem>> -> memref<128x32xf32, #tpu.memory_space<vmem>>
    %dma_wait3A_226 = arith.constant 0 : i32
    %dma_wait3A_227 = tpu.memref_slice %arg11[%dma_wait3A_220, %dma_wait3A_226] : memref<4x128xi32, #tpu.memory_space<vmem>> -> memref<1x128xi32, #tpu.memory_space<vmem>>
    %dma_wait3A_228 = tpu.memref_squeeze %dma_wait3A_227 : memref<1x128xi32, #tpu.memory_space<vmem>> -> memref<128xi32, #tpu.memory_space<vmem>>
    %dma_wait3A_229 = arith.constant 0 : i32
    %dma_wait3A_230 = arith.constant 0 : i32
    %dma_wait3A_231 = tpu.memref_slice %arg2[%dma_wait3A_229, %dma_wait3A_230] : memref<100001x32xf32, #tpu.memory_space<hbm>> -> memref<100001x32xf32, #tpu.memory_space<hbm>>
    tpu.wait_indirect_dma semaphore(%arg20 : memref<!tpu.dma_semaphore, #tpu.memory_space<semaphore_mem>>) src(%dma_wait3A_231 : memref<100001x32xf32, #tpu.memory_space<hbm>>) dst(%dma_wait3A_225 : memref<128x32xf32, #tpu.memory_space<vmem>>)
    %mul3A_232 = arith.constant 512 : i32
    %mul3A_233 = arith.muli %add3A, %mul3A_232 : i32
    %add3A_234 = arith.constant 0 : i32
    %add3A_235 = arith.addi %mul3A_233, %add3A_234 : i32
    %run_scoped3A_236 = arith.constant 0 : i32
    "tpu.region"() ({
      %run_scoped3A_252 = tpu.sem_alloc : memref<!tpu.dma_semaphore, #tpu.memory_space<semaphore_mem>>
      %dma_start3A_253 = arith.constant 0 : i32
      %dma_start3A_254 = arith.constant 0 : i32
      %dma_start3A_255 = tpu.memref_slice %arg14[%run_scoped3A_236, %dma_start3A_253, %dma_start3A_254] : memref<4x128x32xf32, #tpu.memory_space<vmem>> -> memref<1x128x32xf32, #tpu.memory_space<vmem>>
      %dma_start3A_256 = tpu.memref_squeeze %dma_start3A_255 : memref<1x128x32xf32, #tpu.memory_space<vmem>> -> memref<128x32xf32, #tpu.memory_space<vmem>>
      %dma_start3A_257 = arith.constant 0 : i32
      %dma_start3A_258 = tpu.memref_slice %arg7[%add3A_235, %dma_start3A_257] : memref<16384x32xf32, #tpu.memory_space<hbm>> -> memref<128x32xf32, #tpu.memory_space<hbm>>
      %dma_start3A_259 = arith.constant 0 : i32
      %dma_start3A_260 = tpu.memref_slice %arg7[%add3A_235, %dma_start3A_259] : memref<16384x32xf32, #tpu.memory_space<hbm>> -> memref<128x32xf32, #tpu.memory_space<hbm>>
      %dma_start3A_261 = arith.constant 0 : i32
      %dma_start3A_262 = arith.constant 0 : i32
      %dma_start3A_263 = tpu.memref_slice %arg14[%run_scoped3A_236, %dma_start3A_261, %dma_start3A_262] : memref<4x128x32xf32, #tpu.memory_space<vmem>> -> memref<1x128x32xf32, #tpu.memory_space<vmem>>
      %dma_start3A_264 = tpu.memref_squeeze %dma_start3A_263 : memref<1x128x32xf32, #tpu.memory_space<vmem>> -> memref<128x32xf32, #tpu.memory_space<vmem>>
      tpu.enqueue_dma source(%dma_start3A_264 : memref<128x32xf32, #tpu.memory_space<vmem>>) target(%dma_start3A_260 : memref<128x32xf32, #tpu.memory_space<hbm>>) target_semaphore(%run_scoped3A_252 : memref<!tpu.dma_semaphore, #tpu.memory_space<semaphore_mem>>)
      %dma_wait3A_265 = arith.constant 0 : i32
      %dma_wait3A_266 = arith.constant 0 : i32
      %dma_wait3A_267 = tpu.memref_slice %arg14[%run_scoped3A_236, %dma_wait3A_265, %dma_wait3A_266] : memref<4x128x32xf32, #tpu.memory_space<vmem>> -> memref<1x128x32xf32, #tpu.memory_space<vmem>>
      %dma_wait3A_268 = tpu.memref_squeeze %dma_wait3A_267 : memref<1x128x32xf32, #tpu.memory_space<vmem>> -> memref<128x32xf32, #tpu.memory_space<vmem>>
      %dma_wait3A_269 = arith.constant 0 : i32
      %dma_wait3A_270 = tpu.memref_slice %arg7[%add3A_235, %dma_wait3A_269] : memref<16384x32xf32, #tpu.memory_space<hbm>> -> memref<128x32xf32, #tpu.memory_space<hbm>>
      %dma_wait3A_271 = arith.constant 0 : i32
      %dma_wait3A_272 = tpu.memref_slice %arg7[%add3A_235, %dma_wait3A_271] : memref<16384x32xf32, #tpu.memory_space<hbm>> -> memref<128x32xf32, #tpu.memory_space<hbm>>
      %dma_wait3A_273 = arith.constant 0 : i32
      %dma_wait3A_274 = arith.constant 0 : i32
      %dma_wait3A_275 = tpu.memref_slice %arg14[%run_scoped3A_236, %dma_wait3A_273, %dma_wait3A_274] : memref<4x128x32xf32, #tpu.memory_space<vmem>> -> memref<1x128x32xf32, #tpu.memory_space<vmem>>
      %dma_wait3A_276 = tpu.memref_squeeze %dma_wait3A_275 : memref<1x128x32xf32, #tpu.memory_space<vmem>> -> memref<128x32xf32, #tpu.memory_space<vmem>>
      tpu.wait_dma2 semaphore(%run_scoped3A_252 : memref<!tpu.dma_semaphore, #tpu.memory_space<semaphore_mem>>) src(%dma_wait3A_276 : memref<128x32xf32, #tpu.memory_space<vmem>>) dst(%dma_wait3A_272 : memref<128x32xf32, #tpu.memory_space<hbm>>)
      tpu.yield
    }) : () -> ()
    %mul3A_237 = arith.constant 512 : i32
    %mul3A_238 = arith.muli %add3A, %mul3A_237 : i32
    %add3A_239 = arith.constant 128 : i32
    %add3A_240 = arith.addi %mul3A_238, %add3A_239 : i32
    %run_scoped3A_241 = arith.constant 1 : i32
    "tpu.region"() ({
      %run_scoped3A_252 = tpu.sem_alloc : memref<!tpu.dma_semaphore, #tpu.memory_space<semaphore_mem>>
      %dma_start3A_253 = arith.constant 0 : i32
      %dma_start3A_254 = arith.constant 0 : i32
      %dma_start3A_255 = tpu.memref_slice %arg14[%run_scoped3A_241, %dma_start3A_253, %dma_start3A_254] : memref<4x128x32xf32, #tpu.memory_space<vmem>> -> memref<1x128x32xf32, #tpu.memory_space<vmem>>
      %dma_start3A_256 = tpu.memref_squeeze %dma_start3A_255 : memref<1x128x32xf32, #tpu.memory_space<vmem>> -> memref<128x32xf32, #tpu.memory_space<vmem>>
      %dma_start3A_257 = arith.constant 0 : i32
      %dma_start3A_258 = tpu.memref_slice %arg7[%add3A_240, %dma_start3A_257] : memref<16384x32xf32, #tpu.memory_space<hbm>> -> memref<128x32xf32, #tpu.memory_space<hbm>>
      %dma_start3A_259 = arith.constant 0 : i32
      %dma_start3A_260 = tpu.memref_slice %arg7[%add3A_240, %dma_start3A_259] : memref<16384x32xf32, #tpu.memory_space<hbm>> -> memref<128x32xf32, #tpu.memory_space<hbm>>
      %dma_start3A_261 = arith.constant 0 : i32
      %dma_start3A_262 = arith.constant 0 : i32
      %dma_start3A_263 = tpu.memref_slice %arg14[%run_scoped3A_241, %dma_start3A_261, %dma_start3A_262] : memref<4x128x32xf32, #tpu.memory_space<vmem>> -> memref<1x128x32xf32, #tpu.memory_space<vmem>>
      %dma_start3A_264 = tpu.memref_squeeze %dma_start3A_263 : memref<1x128x32xf32, #tpu.memory_space<vmem>> -> memref<128x32xf32, #tpu.memory_space<vmem>>
      tpu.enqueue_dma source(%dma_start3A_264 : memref<128x32xf32, #tpu.memory_space<vmem>>) target(%dma_start3A_260 : memref<128x32xf32, #tpu.memory_space<hbm>>) target_semaphore(%run_scoped3A_252 : memref<!tpu.dma_semaphore, #tpu.memory_space<semaphore_mem>>)
      %dma_wait3A_265 = arith.constant 0 : i32
      %dma_wait3A_266 = arith.constant 0 : i32
      %dma_wait3A_267 = tpu.memref_slice %arg14[%run_scoped3A_241, %dma_wait3A_265, %dma_wait3A_266] : memref<4x128x32xf32, #tpu.memory_space<vmem>> -> memref<1x128x32xf32, #tpu.memory_space<vmem>>
      %dma_wait3A_268 = tpu.memref_squeeze %dma_wait3A_267 : memref<1x128x32xf32, #tpu.memory_space<vmem>> -> memref<128x32xf32, #tpu.memory_space<vmem>>
      %dma_wait3A_269 = arith.constant 0 : i32
      %dma_wait3A_270 = tpu.memref_slice %arg7[%add3A_240, %dma_wait3A_269] : memref<16384x32xf32, #tpu.memory_space<hbm>> -> memref<128x32xf32, #tpu.memory_space<hbm>>
      %dma_wait3A_271 = arith.constant 0 : i32
      %dma_wait3A_272 = tpu.memref_slice %arg7[%add3A_240, %dma_wait3A_271] : memref<16384x32xf32, #tpu.memory_space<hbm>> -> memref<128x32xf32, #tpu.memory_space<hbm>>
      %dma_wait3A_273 = arith.constant 0 : i32
      %dma_wait3A_274 = arith.constant 0 : i32
      %dma_wait3A_275 = tpu.memref_slice %arg14[%run_scoped3A_241, %dma_wait3A_273, %dma_wait3A_274] : memref<4x128x32xf32, #tpu.memory_space<vmem>> -> memref<1x128x32xf32, #tpu.memory_space<vmem>>
      %dma_wait3A_276 = tpu.memref_squeeze %dma_wait3A_275 : memref<1x128x32xf32, #tpu.memory_space<vmem>> -> memref<128x32xf32, #tpu.memory_space<vmem>>
      tpu.wait_dma2 semaphore(%run_scoped3A_252 : memref<!tpu.dma_semaphore, #tpu.memory_space<semaphore_mem>>) src(%dma_wait3A_276 : memref<128x32xf32, #tpu.memory_space<vmem>>) dst(%dma_wait3A_272 : memref<128x32xf32, #tpu.memory_space<hbm>>)
      tpu.yield
    }) : () -> ()
    %mul3A_242 = arith.constant 512 : i32
    %mul3A_243 = arith.muli %add3A, %mul3A_242 : i32
    %add3A_244 = arith.constant 256 : i32
    %add3A_245 = arith.addi %mul3A_243, %add3A_244 : i32
    %run_scoped3A_246 = arith.constant 2 : i32
    "tpu.region"() ({
      %run_scoped3A_252 = tpu.sem_alloc : memref<!tpu.dma_semaphore, #tpu.memory_space<semaphore_mem>>
      %dma_start3A_253 = arith.constant 0 : i32
      %dma_start3A_254 = arith.constant 0 : i32
      %dma_start3A_255 = tpu.memref_slice %arg14[%run_scoped3A_246, %dma_start3A_253, %dma_start3A_254] : memref<4x128x32xf32, #tpu.memory_space<vmem>> -> memref<1x128x32xf32, #tpu.memory_space<vmem>>
      %dma_start3A_256 = tpu.memref_squeeze %dma_start3A_255 : memref<1x128x32xf32, #tpu.memory_space<vmem>> -> memref<128x32xf32, #tpu.memory_space<vmem>>
      %dma_start3A_257 = arith.constant 0 : i32
      %dma_start3A_258 = tpu.memref_slice %arg7[%add3A_245, %dma_start3A_257] : memref<16384x32xf32, #tpu.memory_space<hbm>> -> memref<128x32xf32, #tpu.memory_space<hbm>>
      %dma_start3A_259 = arith.constant 0 : i32
      %dma_start3A_260 = tpu.memref_slice %arg7[%add3A_245, %dma_start3A_259] : memref<16384x32xf32, #tpu.memory_space<hbm>> -> memref<128x32xf32, #tpu.memory_space<hbm>>
      %dma_start3A_261 = arith.constant 0 : i32
      %dma_start3A_262 = arith.constant 0 : i32
      %dma_start3A_263 = tpu.memref_slice %arg14[%run_scoped3A_246, %dma_start3A_261, %dma_start3A_262] : memref<4x128x32xf32, #tpu.memory_space<vmem>> -> memref<1x128x32xf32, #tpu.memory_space<vmem>>
      %dma_start3A_264 = tpu.memref_squeeze %dma_start3A_263 : memref<1x128x32xf32, #tpu.memory_space<vmem>> -> memref<128x32xf32, #tpu.memory_space<vmem>>
      tpu.enqueue_dma source(%dma_start3A_264 : memref<128x32xf32, #tpu.memory_space<vmem>>) target(%dma_start3A_260 : memref<128x32xf32, #tpu.memory_space<hbm>>) target_semaphore(%run_scoped3A_252 : memref<!tpu.dma_semaphore, #tpu.memory_space<semaphore_mem>>)
      %dma_wait3A_265 = arith.constant 0 : i32
      %dma_wait3A_266 = arith.constant 0 : i32
      %dma_wait3A_267 = tpu.memref_slice %arg14[%run_scoped3A_246, %dma_wait3A_265, %dma_wait3A_266] : memref<4x128x32xf32, #tpu.memory_space<vmem>> -> memref<1x128x32xf32, #tpu.memory_space<vmem>>
      %dma_wait3A_268 = tpu.memref_squeeze %dma_wait3A_267 : memref<1x128x32xf32, #tpu.memory_space<vmem>> -> memref<128x32xf32, #tpu.memory_space<vmem>>
      %dma_wait3A_269 = arith.constant 0 : i32
      %dma_wait3A_270 = tpu.memref_slice %arg7[%add3A_245, %dma_wait3A_269] : memref<16384x32xf32, #tpu.memory_space<hbm>> -> memref<128x32xf32, #tpu.memory_space<hbm>>
      %dma_wait3A_271 = arith.constant 0 : i32
      %dma_wait3A_272 = tpu.memref_slice %arg7[%add3A_245, %dma_wait3A_271] : memref<16384x32xf32, #tpu.memory_space<hbm>> -> memref<128x32xf32, #tpu.memory_space<hbm>>
      %dma_wait3A_273 = arith.constant 0 : i32
      %dma_wait3A_274 = arith.constant 0 : i32
      %dma_wait3A_275 = tpu.memref_slice %arg14[%run_scoped3A_246, %dma_wait3A_273, %dma_wait3A_274] : memref<4x128x32xf32, #tpu.memory_space<vmem>> -> memref<1x128x32xf32, #tpu.memory_space<vmem>>
      %dma_wait3A_276 = tpu.memref_squeeze %dma_wait3A_275 : memref<1x128x32xf32, #tpu.memory_space<vmem>> -> memref<128x32xf32, #tpu.memory_space<vmem>>
      tpu.wait_dma2 semaphore(%run_scoped3A_252 : memref<!tpu.dma_semaphore, #tpu.memory_space<semaphore_mem>>) src(%dma_wait3A_276 : memref<128x32xf32, #tpu.memory_space<vmem>>) dst(%dma_wait3A_272 : memref<128x32xf32, #tpu.memory_space<hbm>>)
      tpu.yield
    }) : () -> ()
    %mul3A_247 = arith.constant 512 : i32
    %mul3A_248 = arith.muli %add3A, %mul3A_247 : i32
    %add3A_249 = arith.constant 384 : i32
    %add3A_250 = arith.addi %mul3A_248, %add3A_249 : i32
    %run_scoped3A_251 = arith.constant 3 : i32
    "tpu.region"() ({
      %run_scoped3A_252 = tpu.sem_alloc : memref<!tpu.dma_semaphore, #tpu.memory_space<semaphore_mem>>
      %dma_start3A_253 = arith.constant 0 : i32
      %dma_start3A_254 = arith.constant 0 : i32
      %dma_start3A_255 = tpu.memref_slice %arg14[%run_scoped3A_251, %dma_start3A_253, %dma_start3A_254] : memref<4x128x32xf32, #tpu.memory_space<vmem>> -> memref<1x128x32xf32, #tpu.memory_space<vmem>>
      %dma_start3A_256 = tpu.memref_squeeze %dma_start3A_255 : memref<1x128x32xf32, #tpu.memory_space<vmem>> -> memref<128x32xf32, #tpu.memory_space<vmem>>
      %dma_start3A_257 = arith.constant 0 : i32
      %dma_start3A_258 = tpu.memref_slice %arg7[%add3A_250, %dma_start3A_257] : memref<16384x32xf32, #tpu.memory_space<hbm>> -> memref<128x32xf32, #tpu.memory_space<hbm>>
      %dma_start3A_259 = arith.constant 0 : i32
      %dma_start3A_260 = tpu.memref_slice %arg7[%add3A_250, %dma_start3A_259] : memref<16384x32xf32, #tpu.memory_space<hbm>> -> memref<128x32xf32, #tpu.memory_space<hbm>>
      %dma_start3A_261 = arith.constant 0 : i32
      %dma_start3A_262 = arith.constant 0 : i32
      %dma_start3A_263 = tpu.memref_slice %arg14[%run_scoped3A_251, %dma_start3A_261, %dma_start3A_262] : memref<4x128x32xf32, #tpu.memory_space<vmem>> -> memref<1x128x32xf32, #tpu.memory_space<vmem>>
      %dma_start3A_264 = tpu.memref_squeeze %dma_start3A_263 : memref<1x128x32xf32, #tpu.memory_space<vmem>> -> memref<128x32xf32, #tpu.memory_space<vmem>>
      tpu.enqueue_dma source(%dma_start3A_264 : memref<128x32xf32, #tpu.memory_space<vmem>>) target(%dma_start3A_260 : memref<128x32xf32, #tpu.memory_space<hbm>>) target_semaphore(%run_scoped3A_252 : memref<!tpu.dma_semaphore, #tpu.memory_space<semaphore_mem>>)
      %dma_wait3A_265 = arith.constant 0 : i32
      %dma_wait3A_266 = arith.constant 0 : i32
      %dma_wait3A_267 = tpu.memref_slice %arg14[%run_scoped3A_251, %dma_wait3A_265, %dma_wait3A_266] : memref<4x128x32xf32, #tpu.memory_space<vmem>> -> memref<1x128x32xf32, #tpu.memory_space<vmem>>
      %dma_wait3A_268 = tpu.memref_squeeze %dma_wait3A_267 : memref<1x128x32xf32, #tpu.memory_space<vmem>> -> memref<128x32xf32, #tpu.memory_space<vmem>>
      %dma_wait3A_269 = arith.constant 0 : i32
      %dma_wait3A_270 = tpu.memref_slice %arg7[%add3A_250, %dma_wait3A_269] : memref<16384x32xf32, #tpu.memory_space<hbm>> -> memref<128x32xf32, #tpu.memory_space<hbm>>
      %dma_wait3A_271 = arith.constant 0 : i32
      %dma_wait3A_272 = tpu.memref_slice %arg7[%add3A_250, %dma_wait3A_271] : memref<16384x32xf32, #tpu.memory_space<hbm>> -> memref<128x32xf32, #tpu.memory_space<hbm>>
      %dma_wait3A_273 = arith.constant 0 : i32
      %dma_wait3A_274 = arith.constant 0 : i32
      %dma_wait3A_275 = tpu.memref_slice %arg14[%run_scoped3A_251, %dma_wait3A_273, %dma_wait3A_274] : memref<4x128x32xf32, #tpu.memory_space<vmem>> -> memref<1x128x32xf32, #tpu.memory_space<vmem>>
      %dma_wait3A_276 = tpu.memref_squeeze %dma_wait3A_275 : memref<1x128x32xf32, #tpu.memory_space<vmem>> -> memref<128x32xf32, #tpu.memory_space<vmem>>
      tpu.wait_dma2 semaphore(%run_scoped3A_252 : memref<!tpu.dma_semaphore, #tpu.memory_space<semaphore_mem>>) src(%dma_wait3A_276 : memref<128x32xf32, #tpu.memory_space<vmem>>) dst(%dma_wait3A_272 : memref<128x32xf32, #tpu.memory_space<hbm>>)
      tpu.yield
    }) : () -> ()
    return
  }
}

module attributes {stable_mosaic.version = 14 : i64} {
  func.func @body(%arg0: i32, %arg1: memref<1024x20xi32, #tpu.memory_space<vmem>>, %arg2: memref<1024x32xf32, #tpu.memory_space<vmem>>, %arg3: memref<1024x32xf32, #tpu.memory_space<vmem>>, %arg4: memref<1024x64xf32, #tpu.memory_space<vmem>>) attributes {dimension_semantics = [#tpu.dimension_semantics<arbitrary>], iteration_bounds = array<i64: 16>, scalar_prefetch = 0 : i64, scratch_operands = 0 : i64, tpu.core_type = #tpu.core_type<tc>, window_params = [{transform_indices = @transform_0, window_bounds = array<i64: 1024, 20>}, {transform_indices = @transform_1, window_bounds = array<i64: 1024, 32>}, {transform_indices = @transform_2, window_bounds = array<i64: 1024, 32>}, {transform_indices = @transform_3, window_bounds = array<i64: 1024, 64>}]} {
    %get3A = arith.constant 0 : index
    %get3A_0 = arith.constant 0 : index
    %get3A_1 = vector.load %arg1[%get3A, %get3A_0] : memref<1024x20xi32, #tpu.memory_space<vmem>>, vector<1024x20xi32>
    %ne3A = arith.constant 0 : i32
    %ne3A_2 = vector.broadcast %ne3A : i32 to vector<1024x20xi32>
    %ne3A_3 = arith.cmpi ne, %get3A_1, %ne3A_2 : vector<1024x20xi32>
    %convert_element_type3A = arith.extui %ne3A_3 : vector<1024x20xi1> to vector<1024x20xi32>
    %convert_element_type3A_4 = arith.sitofp %convert_element_type3A : vector<1024x20xi32> to vector<1024x20xf32>
    %reduce_sum3A = arith.constant dense<0.000000e+00> : vector<1024xf32>
    %reduce_sum3A_5 = vector.multi_reduction <add>, %convert_element_type3A_4, %reduce_sum3A [1] : vector<1024x20xf32> to vector<1024xf32>
    %broadcast_in_dim3A = vector.shape_cast %reduce_sum3A_5 : vector<1024xf32> to vector<1024x1xf32>
    %max3A = arith.constant 1.000000e+00 : f32
    %max3A_6 = vector.broadcast %max3A : f32 to vector<1024x1xf32>
    %max3A_7 = arith.maximumf %broadcast_in_dim3A, %max3A_6 : vector<1024x1xf32>
    %get3A_8 = arith.constant 0 : index
    %get3A_9 = arith.constant 0 : index
    %get3A_10 = vector.load %arg2[%get3A_8, %get3A_9] : memref<1024x32xf32, #tpu.memory_space<vmem>>, vector<1024x32xf32>
    %swap3A = arith.constant 0 : index
    %swap3A_11 = arith.constant 0 : index
    %swap3A_12 = vector.load %arg4[%swap3A, %swap3A_11] : memref<1024x64xf32, #tpu.memory_space<vmem>>, vector<1024x32xf32>
    tpu.vector_store %arg4[%swap3A, %swap3A_11], %get3A_10 {strides = array<i32>} : memref<1024x64xf32, #tpu.memory_space<vmem>>, vector<1024x32xf32>,
    %get3A_13 = arith.constant 0 : index
    %get3A_14 = arith.constant 0 : index
    %get3A_15 = vector.load %arg3[%get3A_13, %get3A_14] : memref<1024x32xf32, #tpu.memory_space<vmem>>, vector<1024x32xf32>
    %div3A = vector.broadcast %max3A_7 : vector<1024x1xf32> to vector<1024x32xf32>
    %div3A_16 = arith.divf %get3A_15, %div3A : vector<1024x32xf32>
    %swap3A_17 = arith.constant 0 : index
    %swap3A_18 = arith.constant 32 : index
    %swap3A_19 = vector.load %arg4[%swap3A_17, %swap3A_18] : memref<1024x64xf32, #tpu.memory_space<vmem>>, vector<1024x32xf32>
    tpu.vector_store %arg4[%swap3A_17, %swap3A_18], %div3A_16 {strides = array<i32>} : memref<1024x64xf32, #tpu.memory_space<vmem>>, vector<1024x32xf32>,
    return
  }
  func.func @transform_0(%arg0: i32) -> (i32, i32) {
    %c0_i32 = arith.constant 0 : i32
    %c0_i32_0 = arith.constant 0 : i32
    return %arg0, %c0_i32 : i32, i32
  }
  func.func @transform_1(%arg0: i32) -> (i32, i32) {
    %c0_i32 = arith.constant 0 : i32
    %c0_i32_0 = arith.constant 0 : i32
    return %arg0, %c0_i32 : i32, i32
  }
  func.func @transform_2(%arg0: i32) -> (i32, i32) {
    %c0_i32 = arith.constant 0 : i32
    %c0_i32_0 = arith.constant 0 : i32
    return %arg0, %c0_i32 : i32, i32
  }
  func.func @transform_3(%arg0: i32) -> (i32, i32) {
    %c0_i32 = arith.constant 0 : i32
    %c0_i32_0 = arith.constant 0 : i32
    return %arg0, %c0_i32 : i32, i32
  }
}

</mosaic_0001>

<sc_bundles>
// kernel: kernel.4.cloned.1.call-start
scs
__scs_entry_jumppad:
0x0: {  	(pc) =	sbr.rel $0x88, $3  }
0x1: {  	(tag) =	ssettag $0x0;
	lr =	simm.s32 $0x1  }
0x2: {  	[smem:$0x3F9D] =	sst lr;
	_ =	strace $0xD0000000  }
0x3: {  	_ = 	snop  }
0x4: {  	_ = 	snop  }
0x5: {  	_ = 	snop  }
0x6: {  	_ = 	snop  }
0x7: {  	_ = 	snop  }
__scs_overlays_trampoline_lowered:
0x8: {  	[smem:$0x3FAC] =	sst s0  }
0x9: {  	[smem:$0x3FAD] =	sst s1  }
0xa: {  	[smem:$0x3FAE] =	sst s2  }
0xb: {  	[smem:$0x3FAF] =	sst s3  }
0xc: {  	[smem:$0x3FB0] =	sst s4  }
0xd: {  	[smem:$0x3FB1] =	sst s5  }
0xe: {  	[smem:$0x3FB2] =	sst s6  }
0xf: {  	[smem:$0x3FB3] =	sst s7  }
0x10: {  	[smem:$0x3FB4] =	sst s8  }
0x11: {  	[smem:$0x3FB5] =	sst s9;
	s0 =	simm.s32 @!p0 $0x0  }
0x12: {  	s1 =	sld [smem:$0x3F9B];
	s0 =	simm.s32 @p0 $0x1  }
0x13: {  	[smem:$0x3FB6] =	sst s0;
	s0 =	simm.s32 @!p1 $0x0  }
0x14: {  	s2 =	sld [smem:$0x3F9A];
	s0 =	simm.s32 @p1 $0x1  }
0x15: {  	[smem:$0x3FB7] =	sst s0;
	s0 =	simm.s32 @!p2 $0x0  }
0x16: {  	s3 =	sld [smem:$0x3FDB];
	s0 =	simm.s32 @p2 $0x1  }
0x17: {  	s4 =	simm.s32 $0x1BF5;
	[smem:$0x3FB9] =	sst s0  }
0x18: {  	s0 =	sld [smem:$0x3F9C];
	_ =	swait.ge [sflag:s4], $0x0  }
0x19: {  	s7 =	sld [smem:$0x3F9D]  }
0x1a: {  	s8 =	sadd.s32 $0xFFFFE003, lr  }
0x1b: {  	s9 =	sadd.s32 $0xFFFFFEF7, lr;
	s5 =	simm.s32 $0xFFFFFFFF;
	p2 =	slt.u32 s8, $0xFFFFF086  }
0x1c: {  	p1 =	slt.u32 s9, $0xF7A;
	s5 =	simm.s32 @!p2 $0x0  }
0x1d: {  	s5 =	simm.s32 @p1 $0x1;
	p0 =	seq.s32 s7, s2  }
0x1e: {  	s7 =	smul.u32 @!p0 $0xF7A, s2;
	p2 =	seq.s32 @!p0 s5, $0x0  }
0x1f: {  	s9 =	smul.u32 $0xF7A, s1;
	s8 =	simm.s32 @!p0 $0x1BF5;
	p2 =	por !p2, p0  }
0x20: {  	[sflag:s8] =	ssyncset.s32 @!p0 $0xFFFFF086;
	s6 =	sadd.s32 @!p0 s3, s7;
	s7 =	simm.s32 @!p0 $0x108  }
0x21: {  	s3 =	sadd.s32 s3, s9;
	s6 =	sadd.s32 @!p0 $0x88, s6;
	s7 =	simm.s32 @p2 $0x1082  }
0x22: {  	[simem:s7], [sflag:s8] =	dma.local @!p0 [hbm:s6], $0xF7A  }
0x23: {  	s9 =	sor.u32 $0xD0000000, s2;
	s6 =	simm.s32 $0x108;
	_ =	swait.ge @!p0 [sflag:s8], $0x0  }
0x24: {  	s3 =	sadd.s32 $0x88, s3;
	s6 =	simm.s32 @!p1 $0x1082;
	[sflag:s4] =	ssyncset.s32 $0xFFFFF086  }
0x25: {  	[simem:s6], [sflag:s4] =	dma.local [hbm:s3], $0xF7A  }
0x26: {  	[smem:$0x3F9D] =	sst s1;
	(tag) =	ssettag s2;
	_ =	strace s9  }
0x27: {  	s1 =	sld [smem:$0x3FAD]  }
0x28: {  	s2 =	sld [smem:$0x3FAE]  }
0x29: {  	s4 =	sld [smem:$0x3FB0]  }
0x2a: {  	p0 =	seq.s32 s5, $0x0;
	s5 =	sld [smem:$0x3FB1]  }
0x2b: {  	s6 =	sld [smem:$0x3FB2]  }
0x2c: {  	s7 =	sld [smem:$0x3FB3]  }
0x2d: {  	s3 =	simm.s32 $0x108;
	s8 =	sld [smem:$0x3FB4]  }
0x2e: {  	s3 =	simm.s32 @!p0 $0x1082;
	s9 =	sld [smem:$0x3FB5]  }
0x2f: {  	lr =	sadd.s32 s0, s3;
	s0 =	sld [smem:$0x3FAC]  }
0x30: {  	s3 =	sld [smem:$0x3FAF]  }
0x31: {  	[smem:$0x3FB8] =	sst s10  }
0x32: {  	s10 =	sld [smem:$0x3FB6];
	_ =	sdelay $0x3  }
0x33: {  	p0 =	seq.s32 s10, $0x1;
	s10 =	sld [smem:$0x3FB8];
	_ =	sdelay $0x3  }
0x34: {  	[smem:$0x3FB8] =	sst s10  }
0x35: {  	s10 =	sld [smem:$0x3FB7];
	_ =	sdelay $0x3  }
0x36: {  	p1 =	seq.s32 s10, $0x1;
	s10 =	sld [smem:$0x3FB8];
	_ =	sdelay $0x3  }
0x37: {  	[smem:$0x3FB8] =	sst s10  }
0x38: {  	s10 =	sld [smem:$0x3FB9]  }
0x39: {  	_ = 	snop;
	(pc) =	sbr.ind lr, $3  }
0x3a: {  	_ = 	snop  }
0x3b: {  	_ = 	snop  }
0x3c: {  	p2 =	seq.s32 s10, $0x1;
	s10 =	sld [smem:$0x3FB8]  }
0x3d: {  	_ =	shalt  }
0x3e: {  	_ =	shalt  }
0x3f: {  	_ =	shalt  }
0x40: {  	_ =	shalt  }
0x41: {  	_ =	shalt  }
0x42: {  	_ =	shalt  }
0x43: {  	_ =	shalt  }
0x44: {  	_ =	shalt  }
0x45: {  	_ =	shalt  }
0x46: {  	_ =	shalt  }
0x47: {  	_ =	shalt  }
0x48: {  	_ =	shalt  }
0x49: {  	_ =	shalt  }
0x4a: {  	_ =	shalt  }
0x4b: {  	_ =	shalt  }
0x4c: {  	_ =	shalt  }
0x4d: {  	_ =	shalt  }
0x4e: {  	_ =	shalt  }
0x4f: {  	_ =	shalt  }
0x50: {  	_ =	shalt  }
0x51: {  	_ =	shalt  }
0x52: {  	_ =	shalt  }
0x53: {  	_ =	shalt  }
0x54: {  	_ =	shalt  }
0x55: {  	_ =	shalt  }
0x56: {  	_ =	shalt  }
0x57: {  	_ =	shalt  }
0x58: {  	_ =	shalt  }
0x59: {  	_ =	shalt  }
0x5a: {  	_ =	shalt  }
0x5b: {  	_ =	shalt  }
0x5c: {  	_ =	shalt  }
0x5d: {  	_ =	shalt  }
0x5e: {  	_ =	shalt  }
0x5f: {  	_ =	shalt  }
0x60: {  	_ =	shalt  }
0x61: {  	_ =	shalt  }
0x62: {  	_ =	shalt  }
0x63: {  	_ =	shalt  }
0x64: {  	_ =	shalt  }
0x65: {  	_ =	shalt  }
0x66: {  	_ =	shalt  }
0x67: {  	_ =	shalt  }
0x68: {  	_ =	shalt  }
0x69: {  	_ =	shalt  }
0x6a: {  	_ =	shalt  }
0x6b: {  	_ =	shalt  }
0x6c: {  	_ =	shalt  }
0x6d: {  	_ =	shalt  }
0x6e: {  	_ =	shalt  }
0x6f: {  	_ =	shalt  }
0x70: {  	_ =	shalt  }
0x71: {  	_ =	shalt  }
0x72: {  	_ =	shalt  }
0x73: {  	_ =	shalt  }
0x74: {  	_ =	shalt  }
0x75: {  	_ =	shalt  }
0x76: {  	_ =	shalt  }
0x77: {  	_ =	shalt  }
0x78: {  	_ =	shalt  }
0x79: {  	_ =	shalt  }
0x7a: {  	_ =	shalt  }
0x7b: {  	_ =	shalt  }
0x7c: {  	_ =	shalt  }
0x7d: {  	_ =	shalt  }
0x7e: {  	_ =	shalt  }
0x7f: {  	_ =	shalt  }
0x80: {  	_ =	shalt  }
0x81: {  	_ =	shalt  }
0x82: {  	_ =	shalt  }
0x83: {  	_ =	shalt  }
0x84: {  	_ =	shalt  }
0x85: {  	_ =	shalt  }
0x86: {  	_ =	shalt  }
0x87: {  	_ =	shalt  }
.Lfunc_end0:
.L_simem_size_0:
called_computation_lowered:
.L_overlay_start_0:
0x88: {  	s2 =	sld [smem:$0x3FD9]  }
0x89: {  	s3 =	sld [smem:$0x3FFE];
	_ =	sdelay $0x1  }
0x8a: {  	s1 =	srdreg.scid  }
0x8b: {  	s0 =	sand.u32 $0x1, s1  }
0x8c: {  	s17 =	sshll.u32 s0, $0xA;
	s2 =	sadd.s32 s3, s2  }
0x8d: {  	s2 =	sadd.s32 s2, s17  }
0x8e: {  	[smem:$0x3FC4] =	sst s2  }
0x8f: {  	_ = 	snop  }
0x90: {  	s2 =	sld [smem:$0x3FC9]  }
0x91: {  	s18 =	sld [smem:$0x3FD0];
	(tm) =	ssettm $0x1  }
0x92: {  	s4 =	sld [smem:$0x3FFB];
	_ =	sdelay $0x3  }
0x93: {  	_ =	strace s4  }
0x94: {  	s4 =	sld [smem:$0x3FFC];
	_ =	sdelay $0x3  }
0x95: {  	_ =	strace s4  }
0x96: {  	s4 =	sld [smem:$0x3FFD];
	_ =	sdelay $0x3  }
0x97: {  	_ =	strace s4  }
0x98: {  	_ =	strace $0x8FFFFFFF  }
0x99: {  	s19 =	sld [smem:$0x3FDB];
	_ =	sdelay $0x1  }
0x9a: {  	s5 =	simm.s32 $_scs_section_size  }
0x9b: {  	s6 =	simm.s32 $_size__tile_overlayer_lowered;
	s7 =	simm.s32 $_tile_overlayer_lowered  }
0x9c: {  	s22 =	simm.s32 $0x1BFF;
	s21 =	sshll.u32 s7, $0x1;
	s4 =	sadd.s32 s5, s19  }
0x9d: {  	s8 =	simm.s32 $0x0;
	s20 =	sshll.u32 s6, $0x1;
	s6 =	sadd.s32 s21, s4  }
0x9e: {  	[timem:s8], [sflag:s22] =	dma.local [hbm:s6], s20  }
0x9f: {  	_ =	swait.ge [sflag:s22], s20  }
0xa0: {  	s5 =	ssub.s32 $0x0, s20;
	[sflag:s22] =	ssyncset.done $0x0  }
0xa1: {  	[sflag:s22] =	ssyncadd.s32 s5;
	_ =	sdelay $0x1  }
0xa2: {  	s23 =	simm.s32 $0x1B8B  }
0xa3: {  	_ =	swait.ge [sflag:s23], $0x1  }
0xa4: {  	[sflag:s23] =	ssyncset.done $0x0  }
0xa5: {  	s25 =	simm.s32 $0x1B8E;
	s24 =	sld [smem:$0x3FFE];
	[sflag:s23] =	ssyncadd.s32 $0xFFFFFFFF  }
0xa6: {  	s26 =	simm.s32 $execute0_lowered;
	[smem:$0x3FD2] =	sst s25  }
0xa7: {  	s6 =	sshll.u32 s26, $0x1;
	_ =	strace $0x80000046;
	[dreg:$0x1] =	wrdreg $0xFFFFFFFF  }
0xa8: {  	s28 =	simm.s32 $_size_execute0_lowered;
	s4 =	sadd.s32 s4, s6;
	[dreg:$0x0] =	wrdreg $0x0  }
0xa9: {  	s6 =	sshll.u32 s28, $0x1;
	[dreg:$0x2] =	wrdreg s4  }
0xaa: {  	[dreg:$0x3] =	wrdreg s6  }
0xab: {  	[dreg:$0x4] =	wrdreg $0xC0  }
0xac: {  	_ =	task [dreg:s8], $0x5FFFF  }
0xad: {  	[dreg:$0x1] =	wrdreg $0xFFFFFFFF  }
0xae: {  	[dreg:$0x0] =	wrdreg $0x60  }
0xaf: {  	[dreg:$0x2] =	wrdreg s24  }
0xb0: {  	[dreg:$0x3] =	wrdreg s2  }
0xb1: {  	[dreg:$0x4] =	wrdreg s18  }
0xb2: {  	[dreg:$0x5] =	wrdreg $0xE2000  }
0xb3: {  	[dreg:$0x6] =	wrdreg $0x9  }
0xb4: {  	_ =	task.clear_ibuf [dreg:s8], $0x7FFFF;
	_ =	strace $0x90000046  }
0xb5: {  	s29 =	simm.s32 $0x9;
	_ =	strace $0x80000048  }
0xb6: {  	_ =	swait.ge [sflag:s29], $0x1  }
0xb7: {  	[sflag:s29] =	ssyncadd.s32 $0xFFFFFFFF  }
0xb8: {  	_ =	strace $0x90000048  }
0xb9: {  	_ =	sfence  }
0xba: {  	s30 =	sld [smem:$0x0];
	_ =	sdelay $0x2  }
0xbb: {  	s31 =	sshll.u32 s1, $0xD;
	s1 =	sshrl.u32 s1, $0x2  }
0xbc: {  	s3 =	sand.u32 $0x4000, s31;
	s1 =	sadd.s32 s1, s30  }
0xbd: {  	s0 =	sor.u32 s3, s0;
	s1 =	sshll.u32 s1, $0x11  }
0xbe: {  	s0 =	sor.u32 s1, s0  }
0xbf: {  	s0 =	sadd.s32 $0x8F2B, s0  }
0xc0: {  	[sflag:s0] =	ssyncadd.remote.s32 $0x1  }
0xc1: {  	_ =	sfence.sel $0xFFFF  }
0xc2: {  	[dreg:$0x0] =	wrdreg $0xFFFFFFFF;
	(pc) =	sbr.abs _section_cstart, $3  }
0xc3: {  	[dreg:$0x1] =	wrdreg $0xFFFFFFFF  }
0xc4: {  	_ =	task.clear_ibuf [dreg:s8], $0x2FFFF;
	_ =	strace $0x9FFFFFFF  }
0xc5: {  	(tm) =	ssettm $0x7FFFFFFF  }
tec
execute0_lowered:
.L_overlay_start_1:
0x0: {  	(tag) =	ssettag $0x1  }
0x1: {  	s0 =	rddreg [dreg:$0x0]  }
0x2: {  	s1 =	rddreg [dreg:$0x1]  }
0x3: {  	s6 =	rddreg [dreg:$0x2];
	s3 =	srdreg.scid  }
0x4: {  	s14 =	stileid.u32;
	s2 =	rddreg [dreg:$0x3]  }
0x5: {  	s20 =	simm.s32 $0x6;
	s21 =	simm.s32 $0x5000;
	s28 =	simm.s32 $0x8200  }
0x6: {  	s30 =	simm.s32 $0x9200;
	s31 =	simm.s32 $0xA200;
	s29 =	simm.s32 $0xC200  }
0x7: {  	s7 =	sand.u32 $0x1, s3;
	s4 =	sshll.u32 s14, $0x1;
	s3 =	simm.s32 $0x0  }
0x8: {  	s5 =	sadd.s32 $0x1200, s0;
	s10 =	sadd.s32 $0xC00, s0;
	s12 =	sshll.u32 s14, $0x9  }
0x9: {  	s13 =	sor.u32 $0x2000, s14;
	s23 =	sshll.u32 s14, $0xE;
	s8 =	sor.u32 s7, s4  }
0xa: {  	[smem:$0x7FF] =	sst s3;
	s4 =	sadd.s32 $0x187E00, s0;
	s7 =	ssub.s32 $0x2, s7  }
0xb: {  	v0 =	vmov s12;
	s12 =	simm.s32 $0x0;
	s9 =	smul.u32 $0x500, s8;
	_ =	strace $0x80000047  }
0xc: {  	[dreg:$0x5] =	wrdreg s10;
	s22 =	sshll.u32 s8, $0xB;
	s11 =	sshrl.u32 s7, $0x1  }
0xd: {  	s8 =	sshll.u32 s8, $0x6;
	s10 =	simm.s32 $0x5;
	s7 =	ssub.s32 s7, s11  }
0xe: {  	s1 =	sadd.s32 s1, s8;
	s11 =	sadd.s32 s6, s22;
	s6 =	simm.s32 $0x2  }
0xf: {  	s8 =	simm.s32 $0x4;
	s9 =	sadd.s32 s9, s0;
	s0 =	sadd.s32 s22, s0  }
0x10: {  	[dreg:$0x7] =	wrdreg s1;
	s24 =	sadd.s32 $0x200, s11;
	s25 =	sadd.s32 $0x400, s11  }
0x11: {  	s26 =	sadd.s32 $0x600, s11;
	s15 =	smax.u32 s7, $0x1;
	s22 =	simm.s32 $0x80  }
0x12: {  	s1 =	simm.s32 $0xD200;
	s7 =	simm.s32 $0x3;
	[dreg:$0x9] =	wrdreg s24  }
0x13: {  	s9 =	sadd.s32 $0xB000, s9;
	s0 =	sadd.s32 $0x15000, s0;
	[dreg:$0xa] =	wrdreg s25  }
0x14: {  	[dreg:$0xb] =	wrdreg s26;
	s25 =	simm.s32 $0x7200;
	s24 =	simm.s32 $0xB200  }
0x15: {  	s26 =	simm.s32 $0x5200;
	[dreg:$0x6] =	wrdreg s9;
	s9 =	sadd.s32 s23, s2  }
0x16: {  	[dreg:$0x8] =	wrdreg s0;
	s23 =	simm.s32 $0x6200;
	s0 =	simm.s32 $0x1  }
0x17: {  	v2 =	vimm.f32 $0.0e+00;
	v1 =	vmov s13;
	s16 =	sadd.s32 $0x1000, s9;
	s17 =	sadd.s32 $0x2000, s9;
	s18 =	sadd.s32 $0x3000, s9  }
.LBB2_1:
0x18: {  	s13 =	rddreg [dreg:$0x6];
	s14 =	simm.s32 $0x2800  }
0x19: {  	[tilespmem:s14], [sflag:$0x6] =	stream.linear.gather [hbm4b:s13+s3], $0x2800, $0x38;
	[tilespmem:$0x12220] =	vst v63  }
0x1a: {  	_ =	swait.ge [sflag:s20], $0x2800  }
0x1b: {  	[sflag:s20] =	ssyncset.done $0x0  }
0x1c: {  	s19 =	rddreg [dreg:$0x7];
	[sflag:s20] =	ssyncadd.s32 $0xFFFFD800  }
0x1d: {  	[tilespmem:s21], [sflag:$0x6] =	stream.linear.gather [hbm4b:s19+s3], $0x200, $0x38;
	[tilespmem:$0x12220] =	vst v63  }
0x1e: {  	_ =	swait.ge [sflag:s20], $0x200  }
0x1f: {  	[sflag:s20] =	ssyncset.done $0x0  }
0x20: {  	s19 =	rddreg [dreg:$0x5];
	[sflag:s20] =	ssyncadd.s32 $0xFFFFFE00  }
0x21: {  	[tilespmem:s3], [sflag:$0x6] =	stream.linear.gather [hbm4b:s19+s3], $0x2800, $0x38;
	[tilespmem:$0x12220] =	vst v63  }
0x22: {  	_ =	swait.ge [sflag:s20], $0x2800  }
0x23: {  	[sflag:s20] =	ssyncset.done $0x0  }
0x24: {  	[sflag:s20] =	ssyncadd.s32 $0xFFFFD800  }
0x25: {  	[tilespmem:s23], [sflag:$0x1] =	stream.indirect.gather [hbm4b:s5+s22], $0x20, s14, s22, $0xb8;
	[tilespmem:$0x12220] =	vst v63  }
0x26: {  	s14 =	simm.s32 $0x2880  }
0x27: {  	[tilespmem:s25], [sflag:$0x2] =	stream.indirect.gather [hbm4b:s5+s22], $0x20, s14, s22, $0xb8;
	[tilespmem:$0x12220] =	vst v63  }
0x28: {  	s19 =	simm.s32 $0x2900  }
0x29: {  	[tilespmem:s28], [sflag:$0x3] =	stream.indirect.gather [hbm4b:s5+s22], $0x20, s19, s22, $0xb8;
	[tilespmem:$0x12220] =	vst v63  }
0x2a: {  	s14 =	simm.s32 $0x2980  }
0x2b: {  	[tilespmem:s30], [sflag:$0x4] =	stream.indirect.gather [hbm4b:s5+s22], $0x20, s14, s22, $0xb8;
	[tilespmem:$0x12220] =	vst v63  }
0x2c: {  	_ = 	snop  }
0x2d: {  	[tilespmem:s31], [sflag:$0x5] =	stream.indirect.gather [hbm4b:s4+s22], $0x20, s21, s22, $0xb8;
	[tilespmem:$0x12220] =	vst v63  }
0x2e: {  	s19 =	simm.s32 $0x5080  }
0x2f: {  	[tilespmem:s24], [sflag:$0x5] =	stream.indirect.gather [hbm4b:s4+s22], $0x20, s19, s22, $0xb8;
	[tilespmem:$0x12220] =	vst v63  }
0x30: {  	s14 =	simm.s32 $0x5100  }
0x31: {  	[tilespmem:s29], [sflag:$0x5] =	stream.indirect.gather [hbm4b:s4+s22], $0x20, s14, s22, $0xb8;
	[tilespmem:$0x12220] =	vst v63  }
0x32: {  	s13 =	simm.s32 $0x0;
	s19 =	simm.s32 $0x5180  }
0x33: {  	[tilespmem:s1], [sflag:$0x5] =	stream.indirect.gather [hbm4b:s4+s22], $0x20, s19, s22, $0xb8;
	[tilespmem:$0x12220] =	vst v63  }
0x34: {  	s19 =	simm.s32 $0x40;
	v3 =	vld [tilespmem:s13+$0x2800]  }
.LBB2_2:
0x35: {  	p0 =	sne.s32 s19, $0x9FC0;
	v4 =	vld [tilespmem:s13+$0x0];
	_ =	sdelay $0x2  }
.Ltmp0:
0x36: {  	(pc) =	sbr.rel @p0 .LBB2_2-.Ltmp0, $4  }
0x37: {  	_ = 	snop  }
0x38: {  	vm0 =	veq.s32 v3, $0x0;
	v3 =	vadd.s32 v0, v4  }
0x39: {  	s14 =	sshra.s32 s19, $0x2;
	v4 =	vsel vm0, v1, v3  }
0x3a: {  	s19 =	sadd.s32 $0x40, s19;
	v3 =	vld [tilespmem:s14+$0x2800];
	[tilespmem:s13+$0x0] =	vst v4;
	s13 =	smov.u32 s14  }
0x3b: {  	v4 =	vld [tilespmem:s13+$0x0];
	_ =	sdelay $0x4  }
0x3c: {  	vm0 =	veq.s32 v3, $0x0;
	v3 =	vadd.s32 v0, v4  }
0x3d: {  	v3 =	vsel vm0, v1, v3  }
0x3e: {  	s19 =	simm.s32 $0x0;
	[tilespmem:s13+$0x0] =	vst v3;
	s13 =	simm.s32 $0x80  }
.LBB2_4:
0x3f: {  	p0 =	sne.s32 s13, $0x3F80;
	[tilespmem:s19+$0x5200] =	vst v2;
	s14 =	smov.u32 s13;
	s13 =	sadd.s32 $0x80, s13  }
.Ltmp1:
0x40: {  	[tilespmem:s19+$0x5210] =	vst v2;
	(pc) =	sbr.rel @p0 .LBB2_4-.Ltmp1, $2  }
0x41: {  	_ =	sdelay $0x2  }
0x42: {  	s19 =	sshra.s32 s14, $0x2  }
0x43: {  	[tilespmem:s19+$0x5200] =	vst v2  }
0x44: {  	[tilespmem:s19+$0x5210] =	vst v2  }
0x45: {  	[spmem:s9] =	stream.linear.scatter [tilespmem:s26], [sflag:$0x6], $0x1000, $0x38;
	[tilespmem:$0x12220] =	vst v63  }
0x46: {  	_ =	swait.ge [sflag:s20], $0x1000  }
0x47: {  	[sflag:s20] =	ssyncset.done $0x0  }
0x48: {  	[sflag:s20] =	ssyncadd.s32 $0xFFFFF000  }
0x49: {  	[spmem:s16] =	stream.linear.scatter [tilespmem:s26], [sflag:$0x6], $0x1000, $0x38;
	[tilespmem:$0x12220] =	vst v63  }
0x4a: {  	_ =	swait.ge [sflag:s20], $0x1000  }
0x4b: {  	[sflag:s20] =	ssyncset.done $0x0  }
0x4c: {  	[sflag:s20] =	ssyncadd.s32 $0xFFFFF000  }
0x4d: {  	[spmem:s17] =	stream.linear.scatter [tilespmem:s26], [sflag:$0x6], $0x1000, $0x38;
	[tilespmem:$0x12220] =	vst v63  }
0x4e: {  	_ =	swait.ge [sflag:s20], $0x1000  }
0x4f: {  	[sflag:s20] =	ssyncset.done $0x0  }
0x50: {  	[sflag:s20] =	ssyncadd.s32 $0xFFFFF000  }
0x51: {  	[spmem:s18] =	stream.linear.scatter [tilespmem:s26], [sflag:$0x6], $0x1000, $0x38;
	[tilespmem:$0x12220] =	vst v63  }
0x52: {  	_ =	swait.ge [sflag:s20], $0x1000  }
0x53: {  	[sflag:s20] =	ssyncset.done $0x0  }
0x54: {  	[sflag:s20] =	ssyncadd.s32 $0xFFFFF000  }
0x55: {  	_ =	swait.ge [sflag:s0], $0x1000  }
0x56: {  	[sflag:s0] =	ssyncset.done $0x0  }
0x57: {  	s13 =	simm.s32 $0x0;
	[sflag:s0] =	ssyncadd.s32 $0xFFFFF000  }
0x58: {  	[spmem:s2] =	stream.indirect.scatter.add.f32 [tilespmem:s23], [sflag:$0x6], $0x20, s13, s22, $0xb8;
	[tilespmem:$0x12220] =	vst v63  }
0x59: {  	_ =	swait.ge [sflag:s20], $0x1000  }
0x5a: {  	[sflag:s20] =	ssyncset.done $0x0  }
0x5b: {  	s14 =	simm.s32 $0x2A00;
	[sflag:s20] =	ssyncadd.s32 $0xFFFFF000  }
0x5c: {  	[tilespmem:s23], [sflag:$0x1] =	stream.indirect.gather [hbm4b:s5+s22], $0x20, s14, s22, $0xb8;
	[tilespmem:$0x12220] =	vst v63  }
0x5d: {  	_ =	swait.ge [sflag:s6], $0x1000  }
0x5e: {  	[sflag:s6] =	ssyncset.done $0x0  }
0x5f: {  	s19 =	simm.s32 $0x80;
	[sflag:s6] =	ssyncadd.s32 $0xFFFFF000  }
0x60: {  	[spmem:s2] =	stream.indirect.scatter.add.f32 [tilespmem:s25], [sflag:$0x6], $0x20, s19, s22, $0xb8;
	[tilespmem:$0x12220] =	vst v63  }
0x61: {  	_ =	swait.ge [sflag:s20], $0x1000  }
0x62: {  	[sflag:s20] =	ssyncset.done $0x0  }
0x63: {  	s14 =	simm.s32 $0x2A80;
	[sflag:s20] =	ssyncadd.s32 $0xFFFFF000  }
0x64: {  	[tilespmem:s25], [sflag:$0x2] =	stream.indirect.gather [hbm4b:s5+s22], $0x20, s14, s22, $0xb8;
	[tilespmem:$0x12220] =	vst v63  }
0x65: {  	_ =	swait.ge [sflag:s7], $0x1000  }
0x66: {  	[sflag:s7] =	ssyncset.done $0x0  }
0x67: {  	s19 =	simm.s32 $0x100;
	[sflag:s7] =	ssyncadd.s32 $0xFFFFF000  }
0x68: {  	[spmem:s2] =	stream.indirect.scatter.add.f32 [tilespmem:s28], [sflag:$0x6], $0x20, s19, s22, $0xb8;
	[tilespmem:$0x12220] =	vst v63  }
0x69: {  	_ =	swait.ge [sflag:s20], $0x1000  }
0x6a: {  	[sflag:s20] =	ssyncset.done $0x0  }
0x6b: {  	s14 =	simm.s32 $0x2B00;
	[sflag:s20] =	ssyncadd.s32 $0xFFFFF000  }
0x6c: {  	[tilespmem:s28], [sflag:$0x3] =	stream.indirect.gather [hbm4b:s5+s22], $0x20, s14, s22, $0xb8;
	[tilespmem:$0x12220] =	vst v63  }
0x6d: {  	_ =	swait.ge [sflag:s8], $0x1000  }
0x6e: {  	[sflag:s8] =	ssyncset.done $0x0  }
0x6f: {  	s19 =	simm.s32 $0x180;
	[sflag:s8] =	ssyncadd.s32 $0xFFFFF000  }
0x70: {  	[spmem:s2] =	stream.indirect.scatter.add.f32 [tilespmem:s30], [sflag:$0x6], $0x20, s19, s22, $0xb8;
	[tilespmem:$0x12220] =	vst v63  }
0x71: {  	_ =	swait.ge [sflag:s20], $0x1000  }
0x72: {  	[sflag:s20] =	ssyncset.done $0x0  }
0x73: {  	s13 =	simm.s32 $0x800;
	s19 =	simm.s32 $0x2B80;
	[sflag:s20] =	ssyncadd.s32 $0xFFFFF000  }
.LBB2_6:
0x74: {  	[tilespmem:s30], [sflag:$0x4] =	stream.indirect.gather [hbm4b:s5+s22], $0x20, s19, s22, $0xb8;
	[tilespmem:$0x12220] =	vst v63  }
0x75: {  	s14 =	smov.u32 s13  }
0x76: {  	p0 =	sne.s32 s13, $0x9000;
	s13 =	sadd.s32 $0x800, s13;
	_ =	swait.ge [sflag:s0], $0x1000  }
0x77: {  	[sflag:s0] =	ssyncset.done $0x0  }
0x78: {  	s19 =	sshra.s32 s14, $0x2;
	[sflag:s0] =	ssyncadd.s32 $0xFFFFF000  }
0x79: {  	[spmem:s2] =	stream.indirect.scatter.add.f32 [tilespmem:s23], [sflag:$0x6], $0x20, s19, s22, $0xb8;
	[tilespmem:$0x12220] =	vst v63  }
0x7a: {  	_ =	swait.ge [sflag:s20], $0x1000  }
0x7b: {  	[sflag:s20] =	ssyncset.done $0x0  }
0x7c: {  	s14 =	sadd.s32 $0x2A00, s19;
	[sflag:s20] =	ssyncadd.s32 $0xFFFFF000  }
0x7d: {  	[tilespmem:s23], [sflag:$0x1] =	stream.indirect.gather [hbm4b:s5+s22], $0x20, s14, s22, $0xb8;
	[tilespmem:$0x12220] =	vst v63  }
0x7e: {  	_ =	swait.ge [sflag:s6], $0x1000  }
0x7f: {  	[sflag:s6] =	ssyncset.done $0x0  }
0x80: {  	s14 =	sadd.s32 $0x80, s19;
	[sflag:s6] =	ssyncadd.s32 $0xFFFFF000  }
0x81: {  	[spmem:s2] =	stream.indirect.scatter.add.f32 [tilespmem:s25], [sflag:$0x6], $0x20, s14, s22, $0xb8;
	[tilespmem:$0x12220] =	vst v63  }
0x82: {  	_ =	swait.ge [sflag:s20], $0x1000  }
0x83: {  	[sflag:s20] =	ssyncset.done $0x0  }
0x84: {  	s14 =	sadd.s32 $0x2A80, s19;
	[sflag:s20] =	ssyncadd.s32 $0xFFFFF000  }
0x85: {  	[tilespmem:s25], [sflag:$0x2] =	stream.indirect.gather [hbm4b:s5+s22], $0x20, s14, s22, $0xb8;
	[tilespmem:$0x12220] =	vst v63  }
0x86: {  	_ =	swait.ge [sflag:s7], $0x1000  }
0x87: {  	[sflag:s7] =	ssyncset.done $0x0  }
0x88: {  	s14 =	sadd.s32 $0x100, s19;
	[sflag:s7] =	ssyncadd.s32 $0xFFFFF000  }
0x89: {  	[spmem:s2] =	stream.indirect.scatter.add.f32 [tilespmem:s28], [sflag:$0x6], $0x20, s14, s22, $0xb8;
	[tilespmem:$0x12220] =	vst v63  }
0x8a: {  	_ =	swait.ge [sflag:s20], $0x1000  }
0x8b: {  	[sflag:s20] =	ssyncset.done $0x0  }
0x8c: {  	s14 =	sadd.s32 $0x2B00, s19;
	[sflag:s20] =	ssyncadd.s32 $0xFFFFF000  }
0x8d: {  	[tilespmem:s28], [sflag:$0x3] =	stream.indirect.gather [hbm4b:s5+s22], $0x20, s14, s22, $0xb8;
	[tilespmem:$0x12220] =	vst v63  }
0x8e: {  	_ =	swait.ge [sflag:s8], $0x1000  }
0x8f: {  	[sflag:s8] =	ssyncset.done $0x0  }
.Ltmp2:
0x90: {  	s14 =	sadd.s32 $0x180, s19;
	[sflag:s8] =	ssyncadd.s32 $0xFFFFF000;
	(pc) =	sbr.rel @p0 .LBB2_6-.Ltmp2, $4  }
0x91: {  	[spmem:s2] =	stream.indirect.scatter.add.f32 [tilespmem:s30], [sflag:$0x6], $0x20, s14, s22, $0xb8;
	[tilespmem:$0x12220] =	vst v63  }
0x92: {  	_ =	swait.ge [sflag:s20], $0x1000  }
0x93: {  	[sflag:s20] =	ssyncset.done $0x0  }
0x94: {  	s19 =	sadd.s32 $0x2B80, s19;
	[sflag:s20] =	ssyncadd.s32 $0xFFFFF000  }
0x95: {  	[tilespmem:s30], [sflag:$0x4] =	stream.indirect.gather [hbm4b:s5+s22], $0x20, s19, s22, $0xb8;
	[tilespmem:$0x12220] =	vst v63  }
0x96: {  	_ =	swait.ge [sflag:s0], $0x1000  }
0x97: {  	[sflag:s0] =	ssyncset.done $0x0  }
0x98: {  	s13 =	simm.s32 $0x2600;
	[sflag:s0] =	ssyncadd.s32 $0xFFFFF000  }
0x99: {  	[spmem:s2] =	stream.indirect.scatter.add.f32 [tilespmem:s23], [sflag:$0x6], $0x20, s13, s22, $0xb8;
	[tilespmem:$0x12220] =	vst v63  }
0x9a: {  	_ =	swait.ge [sflag:s20], $0x1000  }
0x9b: {  	[sflag:s20] =	ssyncset.done $0x0  }
0x9c: {  	[sflag:s20] =	ssyncadd.s32 $0xFFFFF000  }
0x9d: {  	_ =	swait.ge [sflag:s6], $0x1000  }
0x9e: {  	[sflag:s6] =	ssyncset.done $0x0  }
0x9f: {  	s19 =	simm.s32 $0x2680;
	[sflag:s6] =	ssyncadd.s32 $0xFFFFF000  }
0xa0: {  	[spmem:s2] =	stream.indirect.scatter.add.f32 [tilespmem:s25], [sflag:$0x6], $0x20, s19, s22, $0xb8;
	[tilespmem:$0x12220] =	vst v63  }
0xa1: {  	_ =	swait.ge [sflag:s20], $0x1000  }
0xa2: {  	[sflag:s20] =	ssyncset.done $0x0  }
0xa3: {  	[sflag:s20] =	ssyncadd.s32 $0xFFFFF000  }
0xa4: {  	_ =	swait.ge [sflag:s7], $0x1000  }
0xa5: {  	[sflag:s7] =	ssyncset.done $0x0  }
0xa6: {  	s14 =	simm.s32 $0x2700;
	[sflag:s7] =	ssyncadd.s32 $0xFFFFF000  }
0xa7: {  	[spmem:s2] =	stream.indirect.scatter.add.f32 [tilespmem:s28], [sflag:$0x6], $0x20, s14, s22, $0xb8;
	[tilespmem:$0x12220] =	vst v63  }
0xa8: {  	_ =	swait.ge [sflag:s20], $0x1000  }
0xa9: {  	[sflag:s20] =	ssyncset.done $0x0  }
0xaa: {  	[sflag:s20] =	ssyncadd.s32 $0xFFFFF000  }
0xab: {  	_ =	swait.ge [sflag:s8], $0x1000  }
0xac: {  	[sflag:s8] =	ssyncset.done $0x0  }
0xad: {  	s19 =	simm.s32 $0x2780;
	[sflag:s8] =	ssyncadd.s32 $0xFFFFF000  }
0xae: {  	[spmem:s2] =	stream.indirect.scatter.add.f32 [tilespmem:s30], [sflag:$0x6], $0x20, s19, s22, $0xb8;
	[tilespmem:$0x12220] =	vst v63  }
0xaf: {  	s14 =	stileid.u32;
	_ =	swait.ge [sflag:s20], $0x1000  }
0xb0: {  	s13 =	sshll.u32 s14, $0x6;
	s14 =	sshrl.u32 s9, $0x3;
	[sflag:s20] =	ssyncset.done $0x0  }
0xb1: {  	s13 =	sor.u32 $0x1C06, s13;
	s19 =	rddreg [dreg:$0x8];
	[sflag:s20] =	ssyncadd.s32 $0xFFFFF000  }
0xb2: {  	[hbm:s19], [sflag:s13] =	dma.local [spmem:s14], $0x800  }
0xb3: {  	_ =	swait.ge [sflag:s20], $0x800  }
0xb4: {  	[sflag:s20] =	ssyncset.done $0x0  }
0xb5: {  	[sflag:s20] =	ssyncadd.s32 $0xFFFFF800  }
0xb6: {  	_ =	swait.ge [sflag:s10], $0x1000  }
0xb7: {  	[sflag:s10] =	ssyncset.done $0x0  }
0xb8: {  	[sflag:s10] =	ssyncadd.s32 $0xFFFFF000  }
0xb9: {  	_ =	swait.ge [sflag:s10], $0x1000  }
0xba: {  	[sflag:s10] =	ssyncset.done $0x0  }
0xbb: {  	[sflag:s10] =	ssyncadd.s32 $0xFFFFF000  }
0xbc: {  	_ =	swait.ge [sflag:s10], $0x1000  }
0xbd: {  	[sflag:s10] =	ssyncset.done $0x0  }
0xbe: {  	[sflag:s10] =	ssyncadd.s32 $0xFFFFF000  }
0xbf: {  	_ =	swait.ge [sflag:s10], $0x1000  }
0xc0: {  	[sflag:s10] =	ssyncset.done $0x0  }
0xc1: {  	[sflag:s10] =	ssyncadd.s32 $0xFFFFF000  }
0xc2: {  	[hbm4b:s11+s3] =	stream.linear.scatter [tilespmem:s31], [sflag:$0x6], $0x1000, $0x38;
	[tilespmem:$0x12220] =	vst v63  }
0xc3: {  	_ =	swait.ge [sflag:s20], $0x1000  }
0xc4: {  	[sflag:s20] =	ssyncset.done $0x0  }
0xc5: {  	s19 =	rddreg [dreg:$0x9];
	[sflag:s20] =	ssyncadd.s32 $0xFFFFF000  }
0xc6: {  	[hbm4b:s19+s3] =	stream.linear.scatter [tilespmem:s24], [sflag:$0x6], $0x1000, $0x38;
	[tilespmem:$0x12220] =	vst v63  }
0xc7: {  	_ =	swait.ge [sflag:s20], $0x1000  }
0xc8: {  	[sflag:s20] =	ssyncset.done $0x0  }
0xc9: {  	s14 =	rddreg [dreg:$0xa];
	[sflag:s20] =	ssyncadd.s32 $0xFFFFF000  }
0xca: {  	[hbm4b:s14+s3] =	stream.linear.scatter [tilespmem:s29], [sflag:$0x6], $0x1000, $0x38;
	[tilespmem:$0x12220] =	vst v63  }
0xcb: {  	s12 =	sadd.s32 $0x1, s12;
	_ =	swait.ge [sflag:s20], $0x1000  }
0xcc: {  	p0 =	sne.s32 s12, s15;
	[sflag:s20] =	ssyncset.done $0x0  }
.Ltmp3:
0xcd: {  	s19 =	rddreg [dreg:$0xb];
	[sflag:s20] =	ssyncadd.s32 $0xFFFFF000;
	(pc) =	sbr.rel @p0 .LBB2_1-.Ltmp3, $4  }
0xce: {  	[hbm4b:s19+s3] =	stream.linear.scatter [tilespmem:s1], [sflag:$0x6], $0x1000, $0x38;
	[tilespmem:$0x12220] =	vst v63  }
0xcf: {  	_ =	swait.ge [sflag:s20], $0x1000  }
0xd0: {  	[sflag:s20] =	ssyncset.done $0x0  }
0xd1: {  	[sflag:s20] =	ssyncadd.s32 $0xFFFFF000  }
0xd2: {  	_ =	sfence.sel $0x180000  }
0xd3: {  	[bflag:$0x0] =	sbarrier.arrive $0xFFFF  }
0xd4: {  	_ =	strace $0x90000047  }
0xd5: {  	s0 =	stileid.u32;
	[bflag:$0x2] =	sbarrier.arrive $0xFFFF  }
0xd6: {  	p0 =	sne.s32 s0, $0x0;
	s0 =	rddreg [dreg:$0x4]  }
0xd7: {  	s0 =	sadd.s32 @!p0 $0x100000, s0  }
0xd8: {  	[sflag:s0] =	ssyncadd.tile.s32 @!p0 $0x1;
	_ =	shalt  }
.Lfunc_end2:
_tile_overlayer_lowered:
.L_overlay_start_2:
0xd9: {  	(tag) =	ssettag $0x2  }
0xda: {  	s0 =	rddreg [dreg:$0x0];
	s2 =	stileid.u32  }
0xdb: {  	s1 =	rddreg [dreg:$0x1];
	p0 =	sne.s32 s2, $0x0  }
0xdc: {  	s3 =	rddreg [dreg:$0x2];
	[bflag:$0x3] =	sbarrier.arrive $0xFFFF;
	s2 =	simm.s32 @!p0 $0x1C06  }
0xdd: {  	[timem:s3], [sflag:s2] =	dma.local @!p0 [hbm:s0], s1  }
0xde: {  	s0 =	simm.s32 @!p0 $0x6  }
0xdf: {  	_ =	swait.ge @!p0 [sflag:s0], s1  }
0xe0: {  	s1 =	ssub.s32 @!p0 $0x0, s1;
	[sflag:s0] =	ssyncset.done @!p0 $0x0  }
0xe1: {  	[sflag:s0] =	ssyncadd.s32 @!p0 s1  }
0xe2: {  	[bflag:$0x3] =	sbarrier.arrive $0xFFFF  }
0xe3: {  	_ =	shalt  }

</sc_bundles>
